<compile_context>
chip_gen: v7x
topology: tpu7x:2x2x1
jax: 0.10.2.dev20260603
libtpu: 0.0.44.dev20260713+nightly
codegen_flags: <defaults>
</compile_context>

<pallas_src>
import functools

import jax
import jax.numpy as jnp
from jax import lax
from jax.experimental import pallas as pl
from jax.experimental.pallas import tpu as pltpu
from jax.experimental.pallas import tpu_sc as plsc

N_NODES = 10000
N_EDGES = 320000
D = 128
N_GRAPHS = 64

NC = 2
NS = 16
NW = NC * NS
CH = 128
EP_W = 10112
NCHUNK = EP_W // CH
E_PAD = NW * EP_W
N_ACC = 10112
ROWS_PER_TILE = N_ACC // NS

_mesh = plsc.VectorSubcoreMesh(core_axis_name="c", subcore_axis_name="s")


@functools.partial(
    pl.kernel,
    out_type=jax.ShapeDtypeStruct((NC, N_ACC), jnp.float32),
    mesh=_mesh,
    scratch_types=[
        pltpu.VMEM((CH,), jnp.int32),
        pltpu.VMEM((CH,), jnp.float32),
        pltpu.VMEM_SHARED((N_ACC,), jnp.float32),
    ],
)
def _sc_degree(dst_hbm, zeros_hbm, out_hbm, dst_v, ones_v, deg_sh):
    c = lax.axis_index("c")
    s = lax.axis_index("s")
    wid = c * NS + s

    @pl.when(s == 0)
    def _():
        pltpu.sync_copy(zeros_hbm, deg_sh)

    for k in range(CH // 16):
        ones_v[pl.ds(16 * k, 16)] = jnp.ones((16,), jnp.float32)
    plsc.subcore_barrier()

    def body(i, carry):
        off = wid * EP_W + i * CH
        pltpu.sync_copy(dst_hbm.at[pl.ds(off, CH)], dst_v)
        pltpu.sync_copy(ones_v, deg_sh.at[dst_v], add=True)
        return carry

    lax.fori_loop(0, NCHUNK, body, 0)
    plsc.subcore_barrier()

    @pl.when(s == 0)
    def _():
        pltpu.sync_copy(deg_sh, out_hbm.at[c])


@functools.partial(
    pl.kernel,
    out_type=jax.ShapeDtypeStruct((NC, N_ACC, D), jnp.float32),
    mesh=_mesh,
    scratch_types=[
        pltpu.VMEM((CH,), jnp.int32),
        pltpu.VMEM((CH,), jnp.int32),
        pltpu.VMEM((CH, D), jnp.float32),
        pltpu.VMEM_SHARED((N_ACC, D), jnp.float32),
        pltpu.SemaphoreType.DMA,
    ],
)
def _sc_scatter(hs_hbm, src_hbm, dst_hbm, zeros_hbm, out_hbm,
                src_v, dst_v, rows_v, acc_sh, sem):
    c = lax.axis_index("c")
    s = lax.axis_index("s")
    wid = c * NS + s
    r0 = s * ROWS_PER_TILE

    pltpu.sync_copy(zeros_hbm.at[pl.ds(r0, ROWS_PER_TILE)],
                    acc_sh.at[pl.ds(r0, ROWS_PER_TILE)])
    plsc.subcore_barrier()

    def body(i, carry):
        off = wid * EP_W + i * CH
        pltpu.sync_copy(src_hbm.at[pl.ds(off, CH)], src_v)
        pltpu.sync_copy(dst_hbm.at[pl.ds(off, CH)], dst_v)
        pltpu.async_copy(hs_hbm.at[src_v], rows_v, sem).wait()
        pltpu.sync_copy(rows_v, acc_sh.at[dst_v], add=True)
        return carry

    lax.fori_loop(0, NCHUNK, body, 0)
    plsc.subcore_barrier()
    pltpu.sync_copy(acc_sh.at[pl.ds(r0, ROWS_PER_TILE)],
                    out_hbm.at[c, pl.ds(r0, ROWS_PER_TILE)])


def _tc_pre_body(deg_ref, x_ref, w1_ref, hs_ref, dinv_ref):
    deg = deg_ref[0] + deg_ref[1] + 1.0
    dinv = lax.rsqrt(deg)
    dinv_ref[...] = dinv
    h = jnp.dot(x_ref[...], w1_ref[...], preferred_element_type=jnp.float32)
    hs_ref[...] = h * dinv


def _tc_mid_body(acc_ref, hs_ref, dinv_ref, b_ref, w_ref, out_ref):
    acc = acc_ref[0, :N_NODES, :] + acc_ref[1, :N_NODES, :] + hs_ref[...]
    h = jnp.maximum(acc * dinv_ref[...] + b_ref[...], 0.0)
    out_ref[...] = jnp.dot(h, w_ref[...],
                           preferred_element_type=jnp.float32) * dinv_ref[...]


def _tc_final_body(acc_ref, hs_ref, dinv_ref, b_ref, wfc_ref, bfc_ref,
                   batch_ref, out_ref):
    acc = acc_ref[0, :N_NODES, :] + acc_ref[1, :N_NODES, :] + hs_ref[...]
    h = jnp.maximum(acc * dinv_ref[...] + b_ref[...], 0.0)
    y = jnp.dot(h, wfc_ref[...], preferred_element_type=jnp.float32)
    gids = lax.broadcasted_iota(jnp.int32, (N_GRAPHS, N_NODES), 0)
    mask = jnp.where(gids == batch_ref[...], 1.0, 0.0)
    sums = jnp.dot(mask, y, preferred_element_type=jnp.float32)
    counts = jnp.sum(mask, axis=1, keepdims=True)
    out_ref[...] = sums / jnp.maximum(counts, 1.0) + bfc_ref[...]


def kernel(x, edge_index, batch, W1, b1, W2, b2, Wfc, bfc):
    src = edge_index[0].astype(jnp.int32)
    dst = edge_index[1].astype(jnp.int32)
    pad = E_PAD - N_EDGES
    src_p = jnp.concatenate([src, jnp.zeros((pad,), jnp.int32)])
    dst_p = jnp.concatenate([dst, jnp.full((pad,), N_NODES, jnp.int32)])

    zeros1 = jnp.zeros((N_ACC,), jnp.float32)
    zeros2 = jnp.zeros((N_ACC, D), jnp.float32)

    degp = _sc_degree(dst_p, zeros1)
    deg2 = degp[:, :N_NODES, None]

    hs1, dinv = pl.pallas_call(
        _tc_pre_body,
        out_shape=[
            jax.ShapeDtypeStruct((N_NODES, D), jnp.float32),
            jax.ShapeDtypeStruct((N_NODES, 1), jnp.float32),
        ],
    )(deg2, x, W1)

    acc1 = _sc_scatter(hs1, src_p, dst_p, zeros2)

    hs2 = pl.pallas_call(
        _tc_mid_body,
        out_shape=jax.ShapeDtypeStruct((N_NODES, D), jnp.float32),
    )(acc1, hs1, dinv, b1.reshape(1, D), W2)

    acc2 = _sc_scatter(hs2, src_p, dst_p, zeros2)

    out = pl.pallas_call(
        _tc_final_body,
        out_shape=jax.ShapeDtypeStruct((N_GRAPHS, 1), jnp.float32),
    )(acc2, hs2, dinv, b2.reshape(1, D), Wfc, bfc.reshape(1, 1),
      batch.astype(jnp.int32).reshape(1, N_NODES))

    return out[:, 0]

# --- scband reference (transcript-rebuilt; emitter-appended) ---
"""Pipeline reference for scband-gcnregressor-9242769621112 (READ-ONLY COPY).

The authoritative reference and input builder live on the scoring server;
editing this copy changes nothing except your own understanding.
"""

import jax, jax.numpy as jnp
import numpy as np

N_NODES = 10000
N_EDGES = 320000
D_IN = 128
D_HID = 128
N_GRAPHS = 64


def glorot(key, shape):
    fan_in, fan_out = shape[0], shape[1]
    limit = np.sqrt(6.0 / (fan_in + fan_out))
    return jax.random.uniform(key, shape, jnp.float32, -limit, limit)


def setup_inputs(seed: int = 0) -> dict:
    key = jax.random.key(seed)
    ks = jax.random.split(key, 10)
    x = jax.random.normal(ks[0], (N_NODES, D_IN), dtype=jnp.float32)
    edge_index = jax.random.randint(ks[1], (2, N_EDGES), 0, N_NODES, dtype=jnp.int64 if jax.config.jax_enable_x64 else jnp.int32)
    batch = jnp.sort(jax.random.randint(ks[2], (N_NODES,), 0, N_GRAPHS, dtype=jnp.int64 if jax.config.jax_enable_x64 else jnp.int32))
    W1 = glorot(ks[3], (D_IN, D_HID))
    b1 = jnp.zeros((D_HID,), jnp.float32)
    W2 = glorot(ks[4], (D_HID, D_HID))
    b2 = jnp.zeros((D_HID,), jnp.float32)
    Wfc = glorot(ks[5], (D_HID, 1))
    bfc = jnp.zeros((1,), jnp.float32)
    return {"x": x, "edge_index": edge_index, "batch": batch, "W1": W1, "b1": b1, "W2": W2, "b2": b2, "Wfc": Wfc, "bfc": bfc}


def gcn_conv(x, edge_index, W, b):
    num_nodes = x.shape[0]
    h = x @ W
    loop = jnp.arange(num_nodes, dtype=edge_index.dtype)
    src = jnp.concatenate([edge_index[0], loop])
    dst = jnp.concatenate([edge_index[1], loop])
    deg = jnp.zeros((num_nodes,), jnp.float32).at[dst].add(1.0)
    dinv = jnp.where(deg > 0, deg ** -0.5, 0.0)
    norm = dinv[src] * dinv[dst]
    msg = h[src] * norm[:, None]
    out = jnp.zeros_like(h).at[dst].add(msg)
    return out + b


def global_mean_pool(x, batch, num_graphs):
    sums = jax.ops.segment_sum(x, batch, num_segments=num_graphs)
    counts = jax.ops.segment_sum(jnp.ones((x.shape[0],), jnp.float32), batch, num_segments=num_graphs)
    return sums / jnp.maximum(counts, 1.0)[:, None]


def reference(x, edge_index, batch, W1, b1, W2, b2, Wfc, bfc):
    h = gcn_conv(x, edge_index, W1, b1)
    h = jax.nn.relu(h)
    h = gcn_conv(h, edge_index, W2, b2)
    h = jax.nn.relu(h)
    g = global_mean_pool(h, batch, N_GRAPHS)
    out = g @ Wfc + bfc
    return jnp.squeeze(out, axis=-1)

if __name__ == "__main__":
    import jax
    _d = setup_inputs()
    print(jax.jit(kernel)(*tuple(_d.values())))

</pallas_src>

<mosaic_0001>
#map = affine_map<(d0, d1) -> (0)>
#map1 = affine_map<(d0, d1) -> (0, 0)>
module attributes {stable_mosaic.version = 14 : i64} {
  func.func @_sc_degree(%arg0: i32, %arg1: i32, %arg2: memref<323584xi32, #tpu.memory_space<hbm>>, %arg3: memref<10112xf32, #tpu.memory_space<hbm>>, %arg4: memref<2x10112xf32, #tpu.memory_space<hbm>>, %arg5: memref<128xi32, #tpu.memory_space<vmem>>, %arg6: memref<128xf32, #tpu.memory_space<vmem>>, %arg7: memref<10112xf32, #tpu.memory_space<vmem_shared>>) attributes {dimension_semantics = [#tpu.dimension_semantics<core_parallel>, #tpu.dimension_semantics<subcore_parallel>], iteration_bounds = array<i64: 2, 16>, scalar_prefetch = 0 : i64, scratch_operands = 3 : i64, tpu.core_type = #tpu.core_type<sc_vector_subcore>, window_params = [{transform_indices = #map}, {transform_indices = #map}, {transform_indices = #map1}]} {
    %mul3A = arith.constant 16 : i32
    %mul3A_0 = arith.muli %arg0, %mul3A : i32
    %add3A = arith.addi %mul3A_0, %arg1 : i32
    %eq3A = arith.constant 0 : i32
    %eq3A_1 = arith.cmpi eq, %arg1, %eq3A : i32
    %convert_element_type3A = arith.extui %eq3A_1 : i1 to i32
    %cond3A = arith.constant 0 : i32
    %cond3A_2 = arith.cmpi ne, %convert_element_type3A, %cond3A : i32
    scf.if %cond3A_2 {
      "tpu.region"() ({
        %run_scoped3A = tpu.sem_alloc : memref<!tpu.dma_semaphore, #tpu.memory_space<semaphore_mem>>
        tpu.enqueue_dma source(%arg3 : memref<10112xf32, #tpu.memory_space<hbm>>) target(%arg7 : memref<10112xf32, #tpu.memory_space<vmem_shared>>) target_semaphore(%run_scoped3A : memref<!tpu.dma_semaphore, #tpu.memory_space<semaphore_mem>>)
        tpu.wait_dma2 semaphore(%run_scoped3A : memref<!tpu.dma_semaphore, #tpu.memory_space<semaphore_mem>>) src(%arg3 : memref<10112xf32, #tpu.memory_space<hbm>>) dst(%arg7 : memref<10112xf32, #tpu.memory_space<vmem_shared>>)
        tpu.yield
      }) : () -> ()
    } else {
    }
    %broadcast_in_dim3A = arith.constant 1.000000e+00 : f32
    %broadcast_in_dim3A_3 = vector.broadcast %broadcast_in_dim3A : f32 to vector<16xf32>
    %swap3A = arith.constant 0 : index
    %swap3A_4 = tpu.vector_load %arg6[%swap3A] {strides = array<i32>} : memref<128xf32, #tpu.memory_space<vmem>>, vector<16xf32>,
    %swap3A_5 = vector.shape_cast %swap3A_4 : vector<16xf32> to vector<16xf32>
    %swap3A_6 = vector.shape_cast %broadcast_in_dim3A_3 : vector<16xf32> to vector<16xf32>
    tpu.vector_store %arg6[%swap3A], %swap3A_6 {strides = array<i32>} : memref<128xf32, #tpu.memory_space<vmem>>, vector<16xf32>,
    %broadcast_in_dim3A_7 = arith.constant 1.000000e+00 : f32
    %broadcast_in_dim3A_8 = vector.broadcast %broadcast_in_dim3A_7 : f32 to vector<16xf32>
    %swap3A_9 = arith.constant 16 : index
    %swap3A_10 = tpu.vector_load %arg6[%swap3A_9] {strides = array<i32>} : memref<128xf32, #tpu.memory_space<vmem>>, vector<16xf32>,
    %swap3A_11 = vector.shape_cast %swap3A_10 : vector<16xf32> to vector<16xf32>
    %swap3A_12 = vector.shape_cast %broadcast_in_dim3A_8 : vector<16xf32> to vector<16xf32>
    tpu.vector_store %arg6[%swap3A_9], %swap3A_12 {strides = array<i32>} : memref<128xf32, #tpu.memory_space<vmem>>, vector<16xf32>,
    %broadcast_in_dim3A_13 = arith.constant 1.000000e+00 : f32
    %broadcast_in_dim3A_14 = vector.broadcast %broadcast_in_dim3A_13 : f32 to vector<16xf32>
    %swap3A_15 = arith.constant 32 : index
    %swap3A_16 = tpu.vector_load %arg6[%swap3A_15] {strides = array<i32>} : memref<128xf32, #tpu.memory_space<vmem>>, vector<16xf32>,
    %swap3A_17 = vector.shape_cast %swap3A_16 : vector<16xf32> to vector<16xf32>
    %swap3A_18 = vector.shape_cast %broadcast_in_dim3A_14 : vector<16xf32> to vector<16xf32>
    tpu.vector_store %arg6[%swap3A_15], %swap3A_18 {strides = array<i32>} : memref<128xf32, #tpu.memory_space<vmem>>, vector<16xf32>,
    %broadcast_in_dim3A_19 = arith.constant 1.000000e+00 : f32
    %broadcast_in_dim3A_20 = vector.broadcast %broadcast_in_dim3A_19 : f32 to vector<16xf32>
    %swap3A_21 = arith.constant 48 : index
    %swap3A_22 = tpu.vector_load %arg6[%swap3A_21] {strides = array<i32>} : memref<128xf32, #tpu.memory_space<vmem>>, vector<16xf32>,
    %swap3A_23 = vector.shape_cast %swap3A_22 : vector<16xf32> to vector<16xf32>
    %swap3A_24 = vector.shape_cast %broadcast_in_dim3A_20 : vector<16xf32> to vector<16xf32>
    tpu.vector_store %arg6[%swap3A_21], %swap3A_24 {strides = array<i32>} : memref<128xf32, #tpu.memory_space<vmem>>, vector<16xf32>,
    %broadcast_in_dim3A_25 = arith.constant 1.000000e+00 : f32
    %broadcast_in_dim3A_26 = vector.broadcast %broadcast_in_dim3A_25 : f32 to vector<16xf32>
    %swap3A_27 = arith.constant 64 : index
    %swap3A_28 = tpu.vector_load %arg6[%swap3A_27] {strides = array<i32>} : memref<128xf32, #tpu.memory_space<vmem>>, vector<16xf32>,
    %swap3A_29 = vector.shape_cast %swap3A_28 : vector<16xf32> to vector<16xf32>
    %swap3A_30 = vector.shape_cast %broadcast_in_dim3A_26 : vector<16xf32> to vector<16xf32>
    tpu.vector_store %arg6[%swap3A_27], %swap3A_30 {strides = array<i32>} : memref<128xf32, #tpu.memory_space<vmem>>, vector<16xf32>,
    %broadcast_in_dim3A_31 = arith.constant 1.000000e+00 : f32
    %broadcast_in_dim3A_32 = vector.broadcast %broadcast_in_dim3A_31 : f32 to vector<16xf32>
    %swap3A_33 = arith.constant 80 : index
    %swap3A_34 = tpu.vector_load %arg6[%swap3A_33] {strides = array<i32>} : memref<128xf32, #tpu.memory_space<vmem>>, vector<16xf32>,
    %swap3A_35 = vector.shape_cast %swap3A_34 : vector<16xf32> to vector<16xf32>
    %swap3A_36 = vector.shape_cast %broadcast_in_dim3A_32 : vector<16xf32> to vector<16xf32>
    tpu.vector_store %arg6[%swap3A_33], %swap3A_36 {strides = array<i32>} : memref<128xf32, #tpu.memory_space<vmem>>, vector<16xf32>,
    %broadcast_in_dim3A_37 = arith.constant 1.000000e+00 : f32
    %broadcast_in_dim3A_38 = vector.broadcast %broadcast_in_dim3A_37 : f32 to vector<16xf32>
    %swap3A_39 = arith.constant 96 : index
    %swap3A_40 = tpu.vector_load %arg6[%swap3A_39] {strides = array<i32>} : memref<128xf32, #tpu.memory_space<vmem>>, vector<16xf32>,
    %swap3A_41 = vector.shape_cast %swap3A_40 : vector<16xf32> to vector<16xf32>
    %swap3A_42 = vector.shape_cast %broadcast_in_dim3A_38 : vector<16xf32> to vector<16xf32>
    tpu.vector_store %arg6[%swap3A_39], %swap3A_42 {strides = array<i32>} : memref<128xf32, #tpu.memory_space<vmem>>, vector<16xf32>,
    %broadcast_in_dim3A_43 = arith.constant 1.000000e+00 : f32
    %broadcast_in_dim3A_44 = vector.broadcast %broadcast_in_dim3A_43 : f32 to vector<16xf32>
    %swap3A_45 = arith.constant 112 : index
    %swap3A_46 = tpu.vector_load %arg6[%swap3A_45] {strides = array<i32>} : memref<128xf32, #tpu.memory_space<vmem>>, vector<16xf32>,
    %swap3A_47 = vector.shape_cast %swap3A_46 : vector<16xf32> to vector<16xf32>
    %swap3A_48 = vector.shape_cast %broadcast_in_dim3A_44 : vector<16xf32> to vector<16xf32>
    tpu.vector_store %arg6[%swap3A_45], %swap3A_48 {strides = array<i32>} : memref<128xf32, #tpu.memory_space<vmem>>, vector<16xf32>,
    %barrier3A = arith.constant 0 : index
    tpu.barrier barrier_id(%barrier3A)
    %scan3A = arith.constant 0 : i32
    %scan3A_49 = arith.constant 0 : i32
    %scan3A_50 = arith.constant 79 : i32
    %scan3A_51 = arith.addi %scan3A_49, %scan3A_50 : i32
    %scan3A_52 = arith.constant 1 : i32
    scf.for %scan3A_60 = %scan3A_49 to %scan3A_51 step %scan3A_52  : i32 {
      %mul3A_61 = arith.constant 10112 : i32
      %mul3A_62 = arith.muli %add3A, %mul3A_61 : i32
      %mul3A_63 = arith.constant 128 : i32
      %mul3A_64 = arith.muli %scan3A_60, %mul3A_63 : i32
      %add3A_65 = arith.addi %mul3A_62, %mul3A_64 : i32
      "tpu.region"() ({
        %run_scoped3A = tpu.sem_alloc : memref<!tpu.dma_semaphore, #tpu.memory_space<semaphore_mem>>
        %dma_start3A = tpu.memref_slice %arg2[%add3A_65] : memref<323584xi32, #tpu.memory_space<hbm>> -> memref<128xi32, #tpu.memory_space<hbm>>
        %dma_start3A_66 = tpu.memref_slice %arg2[%add3A_65] : memref<323584xi32, #tpu.memory_space<hbm>> -> memref<128xi32, #tpu.memory_space<hbm>>
        tpu.enqueue_dma source(%dma_start3A_66 : memref<128xi32, #tpu.memory_space<hbm>>) target(%arg5 : memref<128xi32, #tpu.memory_space<vmem>>) target_semaphore(%run_scoped3A : memref<!tpu.dma_semaphore, #tpu.memory_space<semaphore_mem>>)
        %dma_wait3A = tpu.memref_slice %arg2[%add3A_65] : memref<323584xi32, #tpu.memory_space<hbm>> -> memref<128xi32, #tpu.memory_space<hbm>>
        %dma_wait3A_67 = tpu.memref_slice %arg2[%add3A_65] : memref<323584xi32, #tpu.memory_space<hbm>> -> memref<128xi32, #tpu.memory_space<hbm>>
        tpu.wait_dma2 semaphore(%run_scoped3A : memref<!tpu.dma_semaphore, #tpu.memory_space<semaphore_mem>>) src(%dma_wait3A_67 : memref<128xi32, #tpu.memory_space<hbm>>) dst(%arg5 : memref<128xi32, #tpu.memory_space<vmem>>)
        tpu.yield
      }) : () -> ()
      "tpu.region"() ({
        %run_scoped3A = tpu.sem_alloc : memref<!tpu.dma_semaphore, #tpu.memory_space<semaphore_mem>>
        %dma_start3A = arith.constant 0 : i32
        %dma_start3A_66 = tpu.memref_slice %arg7[%dma_start3A] : memref<10112xf32, #tpu.memory_space<vmem_shared>> -> memref<10112xf32, #tpu.memory_space<vmem_shared>>
        tpu.enqueue_indirect_dma source(%arg6 : memref<128xf32, #tpu.memory_space<vmem>>) target(%dma_start3A_66 : memref<10112xf32, #tpu.memory_space<vmem_shared>>) offsets(%arg5 : memref<128xi32, #tpu.memory_space<vmem>>) semaphore(%run_scoped3A : memref<!tpu.dma_semaphore, #tpu.memory_space<semaphore_mem>>) {add = true}
        %dma_wait3A = arith.constant 0 : i32
        %dma_wait3A_67 = tpu.memref_slice %arg7[%dma_wait3A] : memref<10112xf32, #tpu.memory_space<vmem_shared>> -> memref<10112xf32, #tpu.memory_space<vmem_shared>>
        tpu.wait_indirect_dma semaphore(%run_scoped3A : memref<!tpu.dma_semaphore, #tpu.memory_space<semaphore_mem>>) src(%arg6 : memref<128xf32, #tpu.memory_space<vmem>>) dst(%dma_wait3A_67 : memref<10112xf32, #tpu.memory_space<vmem_shared>>)
        tpu.yield
      }) : () -> ()
    }
    %scan3A_53 = arith.constant 79 : i32
    %barrier3A_54 = arith.constant 0 : index
    tpu.barrier barrier_id(%barrier3A_54)
    %eq3A_55 = arith.constant 0 : i32
    %eq3A_56 = arith.cmpi eq, %arg1, %eq3A_55 : i32
    %convert_element_type3A_57 = arith.extui %eq3A_56 : i1 to i32
    %cond3A_58 = arith.constant 0 : i32
    %cond3A_59 = arith.cmpi ne, %convert_element_type3A_57, %cond3A_58 : i32
    scf.if %cond3A_59 {
      "tpu.region"() ({
        %run_scoped3A = tpu.sem_alloc : memref<!tpu.dma_semaphore, #tpu.memory_space<semaphore_mem>>
        %dma_start3A = arith.constant 0 : i32
        %dma_start3A_60 = tpu.memref_slice %arg4[%arg0, %dma_start3A] : memref<2x10112xf32, #tpu.memory_space<hbm>> -> memref<1x10112xf32, #tpu.memory_space<hbm>>
        %dma_start3A_61 = tpu.memref_squeeze %dma_start3A_60 : memref<1x10112xf32, #tpu.memory_space<hbm>> -> memref<10112xf32, #tpu.memory_space<hbm>>
        tpu.enqueue_dma source(%arg7 : memref<10112xf32, #tpu.memory_space<vmem_shared>>) target(%dma_start3A_61 : memref<10112xf32, #tpu.memory_space<hbm>>) target_semaphore(%run_scoped3A : memref<!tpu.dma_semaphore, #tpu.memory_space<semaphore_mem>>)
        %dma_wait3A = arith.constant 0 : i32
        %dma_wait3A_62 = tpu.memref_slice %arg4[%arg0, %dma_wait3A] : memref<2x10112xf32, #tpu.memory_space<hbm>> -> memref<1x10112xf32, #tpu.memory_space<hbm>>
        %dma_wait3A_63 = tpu.memref_squeeze %dma_wait3A_62 : memref<1x10112xf32, #tpu.memory_space<hbm>> -> memref<10112xf32, #tpu.memory_space<hbm>>
        tpu.wait_dma2 semaphore(%run_scoped3A : memref<!tpu.dma_semaphore, #tpu.memory_space<semaphore_mem>>) src(%arg7 : memref<10112xf32, #tpu.memory_space<vmem_shared>>) dst(%dma_wait3A_63 : memref<10112xf32, #tpu.memory_space<hbm>>)
        tpu.yield
      }) : () -> ()
    } else {
    }
    return
  }
}

#map = affine_map<(d0, d1) -> (0, 0)>
#map1 = affine_map<(d0, d1) -> (0)>
#map2 = affine_map<(d0, d1) -> (0, 0, 0)>
module attributes {stable_mosaic.version = 14 : i64} {
  func.func @_sc_scatter(%arg0: i32, %arg1: i32, %arg2: memref<10000x128xf32, #tpu.memory_space<hbm>>, %arg3: memref<323584xi32, #tpu.memory_space<hbm>>, %arg4: memref<323584xi32, #tpu.memory_space<hbm>>, %arg5: memref<10112x128xf32, #tpu.memory_space<hbm>>, %arg6: memref<2x10112x128xf32, #tpu.memory_space<hbm>>, %arg7: memref<128xi32, #tpu.memory_space<vmem>>, %arg8: memref<128xi32, #tpu.memory_space<vmem>>, %arg9: memref<128x128xf32, #tpu.memory_space<vmem>>, %arg10: memref<10112x128xf32, #tpu.memory_space<vmem_shared>>, %arg11: memref<!tpu.dma_semaphore, #tpu.memory_space<semaphore_mem>>) attributes {dimension_semantics = [#tpu.dimension_semantics<core_parallel>, #tpu.dimension_semantics<subcore_parallel>], iteration_bounds = array<i64: 2, 16>, scalar_prefetch = 0 : i64, scratch_operands = 5 : i64, tpu.core_type = #tpu.core_type<sc_vector_subcore>, window_params = [{transform_indices = #map}, {transform_indices = #map1}, {transform_indices = #map1}, {transform_indices = #map}, {transform_indices = #map2}]} {
    %mul3A = arith.constant 16 : i32
    %mul3A_0 = arith.muli %arg0, %mul3A : i32
    %add3A = arith.addi %mul3A_0, %arg1 : i32
    %mul3A_1 = arith.constant 632 : i32
    %mul3A_2 = arith.muli %arg1, %mul3A_1 : i32
    "tpu.region"() ({
      %run_scoped3A = tpu.sem_alloc : memref<!tpu.dma_semaphore, #tpu.memory_space<semaphore_mem>>
      %dma_start3A = arith.constant 0 : i32
      %dma_start3A_9 = tpu.memref_slice %arg10[%mul3A_2, %dma_start3A] : memref<10112x128xf32, #tpu.memory_space<vmem_shared>> -> memref<632x128xf32, #tpu.memory_space<vmem_shared>>
      %dma_start3A_10 = arith.constant 0 : i32
      %dma_start3A_11 = tpu.memref_slice %arg5[%mul3A_2, %dma_start3A_10] : memref<10112x128xf32, #tpu.memory_space<hbm>> -> memref<632x128xf32, #tpu.memory_space<hbm>>
      tpu.enqueue_dma source(%dma_start3A_11 : memref<632x128xf32, #tpu.memory_space<hbm>>) target(%dma_start3A_9 : memref<632x128xf32, #tpu.memory_space<vmem_shared>>) target_semaphore(%run_scoped3A : memref<!tpu.dma_semaphore, #tpu.memory_space<semaphore_mem>>)
      %dma_wait3A = arith.constant 0 : i32
      %dma_wait3A_12 = tpu.memref_slice %arg10[%mul3A_2, %dma_wait3A] : memref<10112x128xf32, #tpu.memory_space<vmem_shared>> -> memref<632x128xf32, #tpu.memory_space<vmem_shared>>
      %dma_wait3A_13 = arith.constant 0 : i32
      %dma_wait3A_14 = tpu.memref_slice %arg5[%mul3A_2, %dma_wait3A_13] : memref<10112x128xf32, #tpu.memory_space<hbm>> -> memref<632x128xf32, #tpu.memory_space<hbm>>
      tpu.wait_dma2 semaphore(%run_scoped3A : memref<!tpu.dma_semaphore, #tpu.memory_space<semaphore_mem>>) src(%dma_wait3A_14 : memref<632x128xf32, #tpu.memory_space<hbm>>) dst(%dma_wait3A_12 : memref<632x128xf32, #tpu.memory_space<vmem_shared>>)
      tpu.yield
    }) : () -> ()
    %barrier3A = arith.constant 0 : index
    tpu.barrier barrier_id(%barrier3A)
    %scan3A = arith.constant 0 : i32
    %scan3A_3 = arith.constant 0 : i32
    %scan3A_4 = arith.constant 79 : i32
    %scan3A_5 = arith.addi %scan3A_3, %scan3A_4 : i32
    %scan3A_6 = arith.constant 1 : i32
    scf.for %scan3A_9 = %scan3A_3 to %scan3A_5 step %scan3A_6  : i32 {
      %mul3A_10 = arith.constant 10112 : i32
      %mul3A_11 = arith.muli %add3A, %mul3A_10 : i32
      %mul3A_12 = arith.constant 128 : i32
      %mul3A_13 = arith.muli %scan3A_9, %mul3A_12 : i32
      %add3A_14 = arith.addi %mul3A_11, %mul3A_13 : i32
      "tpu.region"() ({
        %run_scoped3A = tpu.sem_alloc : memref<!tpu.dma_semaphore, #tpu.memory_space<semaphore_mem>>
        %dma_start3A_19 = tpu.memref_slice %arg3[%add3A_14] : memref<323584xi32, #tpu.memory_space<hbm>> -> memref<128xi32, #tpu.memory_space<hbm>>
        %dma_start3A_20 = tpu.memref_slice %arg3[%add3A_14] : memref<323584xi32, #tpu.memory_space<hbm>> -> memref<128xi32, #tpu.memory_space<hbm>>
        tpu.enqueue_dma source(%dma_start3A_20 : memref<128xi32, #tpu.memory_space<hbm>>) target(%arg7 : memref<128xi32, #tpu.memory_space<vmem>>) target_semaphore(%run_scoped3A : memref<!tpu.dma_semaphore, #tpu.memory_space<semaphore_mem>>)
        %dma_wait3A_21 = tpu.memref_slice %arg3[%add3A_14] : memref<323584xi32, #tpu.memory_space<hbm>> -> memref<128xi32, #tpu.memory_space<hbm>>
        %dma_wait3A_22 = tpu.memref_slice %arg3[%add3A_14] : memref<323584xi32, #tpu.memory_space<hbm>> -> memref<128xi32, #tpu.memory_space<hbm>>
        tpu.wait_dma2 semaphore(%run_scoped3A : memref<!tpu.dma_semaphore, #tpu.memory_space<semaphore_mem>>) src(%dma_wait3A_22 : memref<128xi32, #tpu.memory_space<hbm>>) dst(%arg7 : memref<128xi32, #tpu.memory_space<vmem>>)
        tpu.yield
      }) : () -> ()
      "tpu.region"() ({
        %run_scoped3A = tpu.sem_alloc : memref<!tpu.dma_semaphore, #tpu.memory_space<semaphore_mem>>
        %dma_start3A_19 = tpu.memref_slice %arg4[%add3A_14] : memref<323584xi32, #tpu.memory_space<hbm>> -> memref<128xi32, #tpu.memory_space<hbm>>
        %dma_start3A_20 = tpu.memref_slice %arg4[%add3A_14] : memref<323584xi32, #tpu.memory_space<hbm>> -> memref<128xi32, #tpu.memory_space<hbm>>
        tpu.enqueue_dma source(%dma_start3A_20 : memref<128xi32, #tpu.memory_space<hbm>>) target(%arg8 : memref<128xi32, #tpu.memory_space<vmem>>) target_semaphore(%run_scoped3A : memref<!tpu.dma_semaphore, #tpu.memory_space<semaphore_mem>>)
        %dma_wait3A_21 = tpu.memref_slice %arg4[%add3A_14] : memref<323584xi32, #tpu.memory_space<hbm>> -> memref<128xi32, #tpu.memory_space<hbm>>
        %dma_wait3A_22 = tpu.memref_slice %arg4[%add3A_14] : memref<323584xi32, #tpu.memory_space<hbm>> -> memref<128xi32, #tpu.memory_space<hbm>>
        tpu.wait_dma2 semaphore(%run_scoped3A : memref<!tpu.dma_semaphore, #tpu.memory_space<semaphore_mem>>) src(%dma_wait3A_22 : memref<128xi32, #tpu.memory_space<hbm>>) dst(%arg8 : memref<128xi32, #tpu.memory_space<vmem>>)
        tpu.yield
      }) : () -> ()
      %dma_start3A = arith.constant 0 : i32
      %dma_start3A_15 = arith.constant 0 : i32
      %dma_start3A_16 = tpu.memref_slice %arg2[%dma_start3A, %dma_start3A_15] : memref<10000x128xf32, #tpu.memory_space<hbm>> -> memref<10000x128xf32, #tpu.memory_space<hbm>>
      tpu.enqueue_indirect_dma source(%dma_start3A_16 : memref<10000x128xf32, #tpu.memory_space<hbm>>) target(%arg9 : memref<128x128xf32, #tpu.memory_space<vmem>>) offsets(%arg7 : memref<128xi32, #tpu.memory_space<vmem>>) semaphore(%arg11 : memref<!tpu.dma_semaphore, #tpu.memory_space<semaphore_mem>>)
      %dma_wait3A = arith.constant 0 : i32
      %dma_wait3A_17 = arith.constant 0 : i32
      %dma_wait3A_18 = tpu.memref_slice %arg2[%dma_wait3A, %dma_wait3A_17] : memref<10000x128xf32, #tpu.memory_space<hbm>> -> memref<10000x128xf32, #tpu.memory_space<hbm>>
      tpu.wait_indirect_dma semaphore(%arg11 : memref<!tpu.dma_semaphore, #tpu.memory_space<semaphore_mem>>) src(%dma_wait3A_18 : memref<10000x128xf32, #tpu.memory_space<hbm>>) dst(%arg9 : memref<128x128xf32, #tpu.memory_space<vmem>>)
      "tpu.region"() ({
        %run_scoped3A = tpu.sem_alloc : memref<!tpu.dma_semaphore, #tpu.memory_space<semaphore_mem>>
        %dma_start3A_19 = arith.constant 0 : i32
        %dma_start3A_20 = arith.constant 0 : i32
        %dma_start3A_21 = tpu.memref_slice %arg10[%dma_start3A_19, %dma_start3A_20] : memref<10112x128xf32, #tpu.memory_space<vmem_shared>> -> memref<10112x128xf32, #tpu.memory_space<vmem_shared>>
        tpu.enqueue_indirect_dma source(%arg9 : memref<128x128xf32, #tpu.memory_space<vmem>>) target(%dma_start3A_21 : memref<10112x128xf32, #tpu.memory_space<vmem_shared>>) offsets(%arg8 : memref<128xi32, #tpu.memory_space<vmem>>) semaphore(%run_scoped3A : memref<!tpu.dma_semaphore, #tpu.memory_space<semaphore_mem>>) {add = true}
        %dma_wait3A_22 = arith.constant 0 : i32
        %dma_wait3A_23 = arith.constant 0 : i32
        %dma_wait3A_24 = tpu.memref_slice %arg10[%dma_wait3A_22, %dma_wait3A_23] : memref<10112x128xf32, #tpu.memory_space<vmem_shared>> -> memref<10112x128xf32, #tpu.memory_space<vmem_shared>>
        tpu.wait_indirect_dma semaphore(%run_scoped3A : memref<!tpu.dma_semaphore, #tpu.memory_space<semaphore_mem>>) src(%arg9 : memref<128x128xf32, #tpu.memory_space<vmem>>) dst(%dma_wait3A_24 : memref<10112x128xf32, #tpu.memory_space<vmem_shared>>)
        tpu.yield
      }) : () -> ()
    }
    %scan3A_7 = arith.constant 79 : i32
    %barrier3A_8 = arith.constant 0 : index
    tpu.barrier barrier_id(%barrier3A_8)
    "tpu.region"() ({
      %run_scoped3A = tpu.sem_alloc : memref<!tpu.dma_semaphore, #tpu.memory_space<semaphore_mem>>
      %dma_start3A = arith.constant 0 : i32
      %dma_start3A_9 = tpu.memref_slice %arg6[%arg0, %mul3A_2, %dma_start3A] : memref<2x10112x128xf32, #tpu.memory_space<hbm>> -> memref<1x632x128xf32, #tpu.memory_space<hbm>>
      %dma_start3A_10 = tpu.memref_squeeze %dma_start3A_9 : memref<1x632x128xf32, #tpu.memory_space<hbm>> -> memref<632x128xf32, #tpu.memory_space<hbm>>
      %dma_start3A_11 = arith.constant 0 : i32
      %dma_start3A_12 = tpu.memref_slice %arg10[%mul3A_2, %dma_start3A_11] : memref<10112x128xf32, #tpu.memory_space<vmem_shared>> -> memref<632x128xf32, #tpu.memory_space<vmem_shared>>
      tpu.enqueue_dma source(%dma_start3A_12 : memref<632x128xf32, #tpu.memory_space<vmem_shared>>) target(%dma_start3A_10 : memref<632x128xf32, #tpu.memory_space<hbm>>) target_semaphore(%run_scoped3A : memref<!tpu.dma_semaphore, #tpu.memory_space<semaphore_mem>>)
      %dma_wait3A = arith.constant 0 : i32
      %dma_wait3A_13 = tpu.memref_slice %arg6[%arg0, %mul3A_2, %dma_wait3A] : memref<2x10112x128xf32, #tpu.memory_space<hbm>> -> memref<1x632x128xf32, #tpu.memory_space<hbm>>
      %dma_wait3A_14 = tpu.memref_squeeze %dma_wait3A_13 : memref<1x632x128xf32, #tpu.memory_space<hbm>> -> memref<632x128xf32, #tpu.memory_space<hbm>>
      %dma_wait3A_15 = arith.constant 0 : i32
      %dma_wait3A_16 = tpu.memref_slice %arg10[%mul3A_2, %dma_wait3A_15] : memref<10112x128xf32, #tpu.memory_space<vmem_shared>> -> memref<632x128xf32, #tpu.memory_space<vmem_shared>>
      tpu.wait_dma2 semaphore(%run_scoped3A : memref<!tpu.dma_semaphore, #tpu.memory_space<semaphore_mem>>) src(%dma_wait3A_16 : memref<632x128xf32, #tpu.memory_space<vmem_shared>>) dst(%dma_wait3A_14 : memref<632x128xf32, #tpu.memory_space<hbm>>)
      tpu.yield
    }) : () -> ()
    return
  }
}

#map = affine_map<(d0, d1) -> (0, 0)>
#map1 = affine_map<(d0, d1) -> (0)>
#map2 = affine_map<(d0, d1) -> (0, 0, 0)>
module attributes {stable_mosaic.version = 14 : i64} {
  func.func @_sc_scatter(%arg0: i32, %arg1: i32, %arg2: memref<10000x128xf32, #tpu.memory_space<hbm>>, %arg3: memref<323584xi32, #tpu.memory_space<hbm>>, %arg4: memref<323584xi32, #tpu.memory_space<hbm>>, %arg5: memref<10112x128xf32, #tpu.memory_space<hbm>>, %arg6: memref<2x10112x128xf32, #tpu.memory_space<hbm>>, %arg7: memref<128xi32, #tpu.memory_space<vmem>>, %arg8: memref<128xi32, #tpu.memory_space<vmem>>, %arg9: memref<128x128xf32, #tpu.memory_space<vmem>>, %arg10: memref<10112x128xf32, #tpu.memory_space<vmem_shared>>, %arg11: memref<!tpu.dma_semaphore, #tpu.memory_space<semaphore_mem>>) attributes {dimension_semantics = [#tpu.dimension_semantics<core_parallel>, #tpu.dimension_semantics<subcore_parallel>], iteration_bounds = array<i64: 2, 16>, scalar_prefetch = 0 : i64, scratch_operands = 5 : i64, tpu.core_type = #tpu.core_type<sc_vector_subcore>, window_params = [{transform_indices = #map}, {transform_indices = #map1}, {transform_indices = #map1}, {transform_indices = #map}, {transform_indices = #map2}]} {
    %mul3A = arith.constant 16 : i32
    %mul3A_0 = arith.muli %arg0, %mul3A : i32
    %add3A = arith.addi %mul3A_0, %arg1 : i32
    %mul3A_1 = arith.constant 632 : i32
    %mul3A_2 = arith.muli %arg1, %mul3A_1 : i32
    "tpu.region"() ({
      %run_scoped3A = tpu.sem_alloc : memref<!tpu.dma_semaphore, #tpu.memory_space<semaphore_mem>>
      %dma_start3A = arith.constant 0 : i32
      %dma_start3A_9 = tpu.memref_slice %arg10[%mul3A_2, %dma_start3A] : memref<10112x128xf32, #tpu.memory_space<vmem_shared>> -> memref<632x128xf32, #tpu.memory_space<vmem_shared>>
      %dma_start3A_10 = arith.constant 0 : i32
      %dma_start3A_11 = tpu.memref_slice %arg5[%mul3A_2, %dma_start3A_10] : memref<10112x128xf32, #tpu.memory_space<hbm>> -> memref<632x128xf32, #tpu.memory_space<hbm>>
      tpu.enqueue_dma source(%dma_start3A_11 : memref<632x128xf32, #tpu.memory_space<hbm>>) target(%dma_start3A_9 : memref<632x128xf32, #tpu.memory_space<vmem_shared>>) target_semaphore(%run_scoped3A : memref<!tpu.dma_semaphore, #tpu.memory_space<semaphore_mem>>)
      %dma_wait3A = arith.constant 0 : i32
      %dma_wait3A_12 = tpu.memref_slice %arg10[%mul3A_2, %dma_wait3A] : memref<10112x128xf32, #tpu.memory_space<vmem_shared>> -> memref<632x128xf32, #tpu.memory_space<vmem_shared>>
      %dma_wait3A_13 = arith.constant 0 : i32
      %dma_wait3A_14 = tpu.memref_slice %arg5[%mul3A_2, %dma_wait3A_13] : memref<10112x128xf32, #tpu.memory_space<hbm>> -> memref<632x128xf32, #tpu.memory_space<hbm>>
      tpu.wait_dma2 semaphore(%run_scoped3A : memref<!tpu.dma_semaphore, #tpu.memory_space<semaphore_mem>>) src(%dma_wait3A_14 : memref<632x128xf32, #tpu.memory_space<hbm>>) dst(%dma_wait3A_12 : memref<632x128xf32, #tpu.memory_space<vmem_shared>>)
      tpu.yield
    }) : () -> ()
    %barrier3A = arith.constant 0 : index
    tpu.barrier barrier_id(%barrier3A)
    %scan3A = arith.constant 0 : i32
    %scan3A_3 = arith.constant 0 : i32
    %scan3A_4 = arith.constant 79 : i32
    %scan3A_5 = arith.addi %scan3A_3, %scan3A_4 : i32
    %scan3A_6 = arith.constant 1 : i32
    scf.for %scan3A_9 = %scan3A_3 to %scan3A_5 step %scan3A_6  : i32 {
      %mul3A_10 = arith.constant 10112 : i32
      %mul3A_11 = arith.muli %add3A, %mul3A_10 : i32
      %mul3A_12 = arith.constant 128 : i32
      %mul3A_13 = arith.muli %scan3A_9, %mul3A_12 : i32
      %add3A_14 = arith.addi %mul3A_11, %mul3A_13 : i32
      "tpu.region"() ({
        %run_scoped3A = tpu.sem_alloc : memref<!tpu.dma_semaphore, #tpu.memory_space<semaphore_mem>>
        %dma_start3A_19 = tpu.memref_slice %arg3[%add3A_14] : memref<323584xi32, #tpu.memory_space<hbm>> -> memref<128xi32, #tpu.memory_space<hbm>>
        %dma_start3A_20 = tpu.memref_slice %arg3[%add3A_14] : memref<323584xi32, #tpu.memory_space<hbm>> -> memref<128xi32, #tpu.memory_space<hbm>>
        tpu.enqueue_dma source(%dma_start3A_20 : memref<128xi32, #tpu.memory_space<hbm>>) target(%arg7 : memref<128xi32, #tpu.memory_space<vmem>>) target_semaphore(%run_scoped3A : memref<!tpu.dma_semaphore, #tpu.memory_space<semaphore_mem>>)
        %dma_wait3A_21 = tpu.memref_slice %arg3[%add3A_14] : memref<323584xi32, #tpu.memory_space<hbm>> -> memref<128xi32, #tpu.memory_space<hbm>>
        %dma_wait3A_22 = tpu.memref_slice %arg3[%add3A_14] : memref<323584xi32, #tpu.memory_space<hbm>> -> memref<128xi32, #tpu.memory_space<hbm>>
        tpu.wait_dma2 semaphore(%run_scoped3A : memref<!tpu.dma_semaphore, #tpu.memory_space<semaphore_mem>>) src(%dma_wait3A_22 : memref<128xi32, #tpu.memory_space<hbm>>) dst(%arg7 : memref<128xi32, #tpu.memory_space<vmem>>)
        tpu.yield
      }) : () -> ()
      "tpu.region"() ({
        %run_scoped3A = tpu.sem_alloc : memref<!tpu.dma_semaphore, #tpu.memory_space<semaphore_mem>>
        %dma_start3A_19 = tpu.memref_slice %arg4[%add3A_14] : memref<323584xi32, #tpu.memory_space<hbm>> -> memref<128xi32, #tpu.memory_space<hbm>>
        %dma_start3A_20 = tpu.memref_slice %arg4[%add3A_14] : memref<323584xi32, #tpu.memory_space<hbm>> -> memref<128xi32, #tpu.memory_space<hbm>>
        tpu.enqueue_dma source(%dma_start3A_20 : memref<128xi32, #tpu.memory_space<hbm>>) target(%arg8 : memref<128xi32, #tpu.memory_space<vmem>>) target_semaphore(%run_scoped3A : memref<!tpu.dma_semaphore, #tpu.memory_space<semaphore_mem>>)
        %dma_wait3A_21 = tpu.memref_slice %arg4[%add3A_14] : memref<323584xi32, #tpu.memory_space<hbm>> -> memref<128xi32, #tpu.memory_space<hbm>>
        %dma_wait3A_22 = tpu.memref_slice %arg4[%add3A_14] : memref<323584xi32, #tpu.memory_space<hbm>> -> memref<128xi32, #tpu.memory_space<hbm>>
        tpu.wait_dma2 semaphore(%run_scoped3A : memref<!tpu.dma_semaphore, #tpu.memory_space<semaphore_mem>>) src(%dma_wait3A_22 : memref<128xi32, #tpu.memory_space<hbm>>) dst(%arg8 : memref<128xi32, #tpu.memory_space<vmem>>)
        tpu.yield
      }) : () -> ()
      %dma_start3A = arith.constant 0 : i32
      %dma_start3A_15 = arith.constant 0 : i32
      %dma_start3A_16 = tpu.memref_slice %arg2[%dma_start3A, %dma_start3A_15] : memref<10000x128xf32, #tpu.memory_space<hbm>> -> memref<10000x128xf32, #tpu.memory_space<hbm>>
      tpu.enqueue_indirect_dma source(%dma_start3A_16 : memref<10000x128xf32, #tpu.memory_space<hbm>>) target(%arg9 : memref<128x128xf32, #tpu.memory_space<vmem>>) offsets(%arg7 : memref<128xi32, #tpu.memory_space<vmem>>) semaphore(%arg11 : memref<!tpu.dma_semaphore, #tpu.memory_space<semaphore_mem>>)
      %dma_wait3A = arith.constant 0 : i32
      %dma_wait3A_17 = arith.constant 0 : i32
      %dma_wait3A_18 = tpu.memref_slice %arg2[%dma_wait3A, %dma_wait3A_17] : memref<10000x128xf32, #tpu.memory_space<hbm>> -> memref<10000x128xf32, #tpu.memory_space<hbm>>
      tpu.wait_indirect_dma semaphore(%arg11 : memref<!tpu.dma_semaphore, #tpu.memory_space<semaphore_mem>>) src(%dma_wait3A_18 : memref<10000x128xf32, #tpu.memory_space<hbm>>) dst(%arg9 : memref<128x128xf32, #tpu.memory_space<vmem>>)
      "tpu.region"() ({
        %run_scoped3A = tpu.sem_alloc : memref<!tpu.dma_semaphore, #tpu.memory_space<semaphore_mem>>
        %dma_start3A_19 = arith.constant 0 : i32
        %dma_start3A_20 = arith.constant 0 : i32
        %dma_start3A_21 = tpu.memref_slice %arg10[%dma_start3A_19, %dma_start3A_20] : memref<10112x128xf32, #tpu.memory_space<vmem_shared>> -> memref<10112x128xf32, #tpu.memory_space<vmem_shared>>
        tpu.enqueue_indirect_dma source(%arg9 : memref<128x128xf32, #tpu.memory_space<vmem>>) target(%dma_start3A_21 : memref<10112x128xf32, #tpu.memory_space<vmem_shared>>) offsets(%arg8 : memref<128xi32, #tpu.memory_space<vmem>>) semaphore(%run_scoped3A : memref<!tpu.dma_semaphore, #tpu.memory_space<semaphore_mem>>) {add = true}
        %dma_wait3A_22 = arith.constant 0 : i32
        %dma_wait3A_23 = arith.constant 0 : i32
        %dma_wait3A_24 = tpu.memref_slice %arg10[%dma_wait3A_22, %dma_wait3A_23] : memref<10112x128xf32, #tpu.memory_space<vmem_shared>> -> memref<10112x128xf32, #tpu.memory_space<vmem_shared>>
        tpu.wait_indirect_dma semaphore(%run_scoped3A : memref<!tpu.dma_semaphore, #tpu.memory_space<semaphore_mem>>) src(%arg9 : memref<128x128xf32, #tpu.memory_space<vmem>>) dst(%dma_wait3A_24 : memref<10112x128xf32, #tpu.memory_space<vmem_shared>>)
        tpu.yield
      }) : () -> ()
    }
    %scan3A_7 = arith.constant 79 : i32
    %barrier3A_8 = arith.constant 0 : index
    tpu.barrier barrier_id(%barrier3A_8)
    "tpu.region"() ({
      %run_scoped3A = tpu.sem_alloc : memref<!tpu.dma_semaphore, #tpu.memory_space<semaphore_mem>>
      %dma_start3A = arith.constant 0 : i32
      %dma_start3A_9 = tpu.memref_slice %arg6[%arg0, %mul3A_2, %dma_start3A] : memref<2x10112x128xf32, #tpu.memory_space<hbm>> -> memref<1x632x128xf32, #tpu.memory_space<hbm>>
      %dma_start3A_10 = tpu.memref_squeeze %dma_start3A_9 : memref<1x632x128xf32, #tpu.memory_space<hbm>> -> memref<632x128xf32, #tpu.memory_space<hbm>>
      %dma_start3A_11 = arith.constant 0 : i32
      %dma_start3A_12 = tpu.memref_slice %arg10[%mul3A_2, %dma_start3A_11] : memref<10112x128xf32, #tpu.memory_space<vmem_shared>> -> memref<632x128xf32, #tpu.memory_space<vmem_shared>>
      tpu.enqueue_dma source(%dma_start3A_12 : memref<632x128xf32, #tpu.memory_space<vmem_shared>>) target(%dma_start3A_10 : memref<632x128xf32, #tpu.memory_space<hbm>>) target_semaphore(%run_scoped3A : memref<!tpu.dma_semaphore, #tpu.memory_space<semaphore_mem>>)
      %dma_wait3A = arith.constant 0 : i32
      %dma_wait3A_13 = tpu.memref_slice %arg6[%arg0, %mul3A_2, %dma_wait3A] : memref<2x10112x128xf32, #tpu.memory_space<hbm>> -> memref<1x632x128xf32, #tpu.memory_space<hbm>>
      %dma_wait3A_14 = tpu.memref_squeeze %dma_wait3A_13 : memref<1x632x128xf32, #tpu.memory_space<hbm>> -> memref<632x128xf32, #tpu.memory_space<hbm>>
      %dma_wait3A_15 = arith.constant 0 : i32
      %dma_wait3A_16 = tpu.memref_slice %arg10[%mul3A_2, %dma_wait3A_15] : memref<10112x128xf32, #tpu.memory_space<vmem_shared>> -> memref<632x128xf32, #tpu.memory_space<vmem_shared>>
      tpu.wait_dma2 semaphore(%run_scoped3A : memref<!tpu.dma_semaphore, #tpu.memory_space<semaphore_mem>>) src(%dma_wait3A_16 : memref<632x128xf32, #tpu.memory_space<vmem_shared>>) dst(%dma_wait3A_14 : memref<632x128xf32, #tpu.memory_space<hbm>>)
      tpu.yield
    }) : () -> ()
    return
  }
}

module attributes {stable_mosaic.version = 14 : i64} {
  func.func @_tc_pre_body(%arg0: memref<2x10000x1xf32, #tpu.memory_space<vmem>>, %arg1: memref<10000x128xf32, #tpu.memory_space<vmem>>, %arg2: memref<128x128xf32, #tpu.memory_space<vmem>>, %arg3: memref<10000x128xf32, #tpu.memory_space<vmem>>, %arg4: memref<10000x1xf32, #tpu.memory_space<vmem>>) attributes {dimension_semantics = [], scalar_prefetch = 0 : i64, scratch_operands = 0 : i64, tpu.core_type = #tpu.core_type<tc>} {
    %get3A = arith.constant 0 : index
    %get3A_0 = arith.constant 0 : index
    %get3A_1 = arith.constant 0 : index
    %get3A_2 = vector.load %arg0[%get3A, %get3A_0, %get3A_1] : memref<2x10000x1xf32, #tpu.memory_space<vmem>>, vector<1x10000x1xf32>
    %get3A_3 = vector.shape_cast %get3A_2 : vector<1x10000x1xf32> to vector<10000x1xf32>
    %get3A_4 = arith.constant 1 : index
    %get3A_5 = arith.constant 0 : index
    %get3A_6 = arith.constant 0 : index
    %get3A_7 = vector.load %arg0[%get3A_4, %get3A_5, %get3A_6] : memref<2x10000x1xf32, #tpu.memory_space<vmem>>, vector<1x10000x1xf32>
    %get3A_8 = vector.shape_cast %get3A_7 : vector<1x10000x1xf32> to vector<10000x1xf32>
    %add3A = arith.addf %get3A_3, %get3A_8 : vector<10000x1xf32>
    %add3A_9 = arith.constant 1.000000e+00 : f32
    %add3A_10 = vector.broadcast %add3A_9 : f32 to vector<10000x1xf32>
    %add3A_11 = arith.addf %add3A, %add3A_10 : vector<10000x1xf32>
    %rsqrt3A = math.rsqrt %add3A_11 : vector<10000x1xf32>
    %swap3A = arith.constant 0 : index
    %swap3A_12 = arith.constant 0 : index
    %swap3A_13 = vector.load %arg4[%swap3A, %swap3A_12] : memref<10000x1xf32, #tpu.memory_space<vmem>>, vector<10000x1xf32>
    tpu.vector_store %arg4[%swap3A, %swap3A_12], %rsqrt3A {strides = array<i32>} : memref<10000x1xf32, #tpu.memory_space<vmem>>, vector<10000x1xf32>,
    %get3A_14 = arith.constant 0 : index
    %get3A_15 = arith.constant 0 : index
    %get3A_16 = vector.load %arg1[%get3A_14, %get3A_15] : memref<10000x128xf32, #tpu.memory_space<vmem>>, vector<10000x128xf32>
    %get3A_17 = arith.constant 0 : index
    %get3A_18 = arith.constant 0 : index
    %get3A_19 = vector.load %arg2[%get3A_17, %get3A_18] : memref<128x128xf32, #tpu.memory_space<vmem>>, vector<128x128xf32>
    %dot_general3A = arith.constant dense<0.000000e+00> : vector<10000x128xf32>
    %dot_general3A_20 = tpu.matmul %get3A_16, %get3A_19, %dot_general3A {dimension_numbers = #tpu.dot_dimension_numbers<[1], [0], [0], [1], [0, 0, 1, 1], [], []>, transpose_lhs_hint = false} : vector<10000x128xf32>, vector<128x128xf32>, vector<10000x128xf32> -> vector<10000x128xf32>
    %mul3A = vector.broadcast %rsqrt3A : vector<10000x1xf32> to vector<10000x128xf32>
    %mul3A_21 = arith.mulf %dot_general3A_20, %mul3A : vector<10000x128xf32>
    %swap3A_22 = arith.constant 0 : index
    %swap3A_23 = arith.constant 0 : index
    %swap3A_24 = vector.load %arg3[%swap3A_22, %swap3A_23] : memref<10000x128xf32, #tpu.memory_space<vmem>>, vector<10000x128xf32>
    tpu.vector_store %arg3[%swap3A_22, %swap3A_23], %mul3A_21 {strides = array<i32>} : memref<10000x128xf32, #tpu.memory_space<vmem>>, vector<10000x128xf32>,
    return
  }
}

module attributes {stable_mosaic.version = 14 : i64} {
  func.func @_tc_mid_body(%arg0: memref<2x10112x128xf32, #tpu.memory_space<vmem>>, %arg1: memref<10000x128xf32, #tpu.memory_space<vmem>>, %arg2: memref<10000x1xf32, #tpu.memory_space<vmem>>, %arg3: memref<1x128xf32, #tpu.memory_space<vmem>>, %arg4: memref<128x128xf32, #tpu.memory_space<vmem>>, %arg5: memref<10000x128xf32, #tpu.memory_space<vmem>>) attributes {dimension_semantics = [], scalar_prefetch = 0 : i64, scratch_operands = 0 : i64, tpu.core_type = #tpu.core_type<tc>} {
    %get3A = arith.constant 0 : index
    %get3A_0 = arith.constant 0 : index
    %get3A_1 = arith.constant 0 : index
    %get3A_2 = vector.load %arg0[%get3A, %get3A_0, %get3A_1] : memref<2x10112x128xf32, #tpu.memory_space<vmem>>, vector<1x10000x128xf32>
    %get3A_3 = vector.shape_cast %get3A_2 : vector<1x10000x128xf32> to vector<10000x128xf32>
    %get3A_4 = arith.constant 1 : index
    %get3A_5 = arith.constant 0 : index
    %get3A_6 = arith.constant 0 : index
    %get3A_7 = vector.load %arg0[%get3A_4, %get3A_5, %get3A_6] : memref<2x10112x128xf32, #tpu.memory_space<vmem>>, vector<1x10000x128xf32>
    %get3A_8 = vector.shape_cast %get3A_7 : vector<1x10000x128xf32> to vector<10000x128xf32>
    %add3A = arith.addf %get3A_3, %get3A_8 : vector<10000x128xf32>
    %get3A_9 = arith.constant 0 : index
    %get3A_10 = arith.constant 0 : index
    %get3A_11 = vector.load %arg1[%get3A_9, %get3A_10] : memref<10000x128xf32, #tpu.memory_space<vmem>>, vector<10000x128xf32>
    %add3A_12 = arith.addf %add3A, %get3A_11 : vector<10000x128xf32>
    %get3A_13 = arith.constant 0 : index
    %get3A_14 = arith.constant 0 : index
    %get3A_15 = vector.load %arg2[%get3A_13, %get3A_14] : memref<10000x1xf32, #tpu.memory_space<vmem>>, vector<10000x1xf32>
    %mul3A = vector.broadcast %get3A_15 : vector<10000x1xf32> to vector<10000x128xf32>
    %mul3A_16 = arith.mulf %add3A_12, %mul3A : vector<10000x128xf32>
    %get3A_17 = arith.constant 0 : index
    %get3A_18 = arith.constant 0 : index
    %get3A_19 = vector.load %arg3[%get3A_17, %get3A_18] : memref<1x128xf32, #tpu.memory_space<vmem>>, vector<1x128xf32>
    %add3A_20 = vector.broadcast %get3A_19 : vector<1x128xf32> to vector<10000x128xf32>
    %add3A_21 = arith.addf %mul3A_16, %add3A_20 : vector<10000x128xf32>
    %max3A = arith.constant 0.000000e+00 : f32
    %max3A_22 = vector.broadcast %max3A : f32 to vector<10000x128xf32>
    %max3A_23 = arith.maximumf %add3A_21, %max3A_22 : vector<10000x128xf32>
    %get3A_24 = arith.constant 0 : index
    %get3A_25 = arith.constant 0 : index
    %get3A_26 = vector.load %arg4[%get3A_24, %get3A_25] : memref<128x128xf32, #tpu.memory_space<vmem>>, vector<128x128xf32>
    %dot_general3A = arith.constant dense<0.000000e+00> : vector<10000x128xf32>
    %dot_general3A_27 = tpu.matmul %max3A_23, %get3A_26, %dot_general3A {dimension_numbers = #tpu.dot_dimension_numbers<[1], [0], [0], [1], [0, 0, 1, 1], [], []>, transpose_lhs_hint = false} : vector<10000x128xf32>, vector<128x128xf32>, vector<10000x128xf32> -> vector<10000x128xf32>
    %get3A_28 = arith.constant 0 : index
    %get3A_29 = arith.constant 0 : index
    %get3A_30 = vector.load %arg2[%get3A_28, %get3A_29] : memref<10000x1xf32, #tpu.memory_space<vmem>>, vector<10000x1xf32>
    %mul3A_31 = vector.broadcast %get3A_30 : vector<10000x1xf32> to vector<10000x128xf32>
    %mul3A_32 = arith.mulf %dot_general3A_27, %mul3A_31 : vector<10000x128xf32>
    %swap3A = arith.constant 0 : index
    %swap3A_33 = arith.constant 0 : index
    %swap3A_34 = vector.load %arg5[%swap3A, %swap3A_33] : memref<10000x128xf32, #tpu.memory_space<vmem>>, vector<10000x128xf32>
    tpu.vector_store %arg5[%swap3A, %swap3A_33], %mul3A_32 {strides = array<i32>} : memref<10000x128xf32, #tpu.memory_space<vmem>>, vector<10000x128xf32>,
    return
  }
}

module attributes {stable_mosaic.version = 14 : i64} {
  func.func @_tc_final_body(%arg0: memref<2x10112x128xf32, #tpu.memory_space<vmem>>, %arg1: memref<10000x128xf32, #tpu.memory_space<vmem>>, %arg2: memref<10000x1xf32, #tpu.memory_space<vmem>>, %arg3: memref<1x128xf32, #tpu.memory_space<vmem>>, %arg4: memref<128x1xf32, #tpu.memory_space<vmem>>, %arg5: memref<1x1xf32, #tpu.memory_space<vmem>>, %arg6: memref<1x10000xi32, #tpu.memory_space<vmem>>, %arg7: memref<64x1xf32, #tpu.memory_space<vmem>>) attributes {dimension_semantics = [], scalar_prefetch = 0 : i64, scratch_operands = 0 : i64, tpu.core_type = #tpu.core_type<tc>} {
    %get3A = arith.constant 0 : index
    %get3A_0 = arith.constant 0 : index
    %get3A_1 = arith.constant 0 : index
    %get3A_2 = vector.load %arg0[%get3A, %get3A_0, %get3A_1] : memref<2x10112x128xf32, #tpu.memory_space<vmem>>, vector<1x10000x128xf32>
    %get3A_3 = vector.shape_cast %get3A_2 : vector<1x10000x128xf32> to vector<10000x128xf32>
    %get3A_4 = arith.constant 1 : index
    %get3A_5 = arith.constant 0 : index
    %get3A_6 = arith.constant 0 : index
    %get3A_7 = vector.load %arg0[%get3A_4, %get3A_5, %get3A_6] : memref<2x10112x128xf32, #tpu.memory_space<vmem>>, vector<1x10000x128xf32>
    %get3A_8 = vector.shape_cast %get3A_7 : vector<1x10000x128xf32> to vector<10000x128xf32>
    %add3A = arith.addf %get3A_3, %get3A_8 : vector<10000x128xf32>
    %get3A_9 = arith.constant 0 : index
    %get3A_10 = arith.constant 0 : index
    %get3A_11 = vector.load %arg1[%get3A_9, %get3A_10] : memref<10000x128xf32, #tpu.memory_space<vmem>>, vector<10000x128xf32>
    %add3A_12 = arith.addf %add3A, %get3A_11 : vector<10000x128xf32>
    %get3A_13 = arith.constant 0 : index
    %get3A_14 = arith.constant 0 : index
    %get3A_15 = vector.load %arg2[%get3A_13, %get3A_14] : memref<10000x1xf32, #tpu.memory_space<vmem>>, vector<10000x1xf32>
    %mul3A = vector.broadcast %get3A_15 : vector<10000x1xf32> to vector<10000x128xf32>
    %mul3A_16 = arith.mulf %add3A_12, %mul3A : vector<10000x128xf32>
    %get3A_17 = arith.constant 0 : index
    %get3A_18 = arith.constant 0 : index
    %get3A_19 = vector.load %arg3[%get3A_17, %get3A_18] : memref<1x128xf32, #tpu.memory_space<vmem>>, vector<1x128xf32>
    %add3A_20 = vector.broadcast %get3A_19 : vector<1x128xf32> to vector<10000x128xf32>
    %add3A_21 = arith.addf %mul3A_16, %add3A_20 : vector<10000x128xf32>
    %max3A = arith.constant 0.000000e+00 : f32
    %max3A_22 = vector.broadcast %max3A : f32 to vector<10000x128xf32>
    %max3A_23 = arith.maximumf %add3A_21, %max3A_22 : vector<10000x128xf32>
    %get3A_24 = arith.constant 0 : index
    %get3A_25 = arith.constant 0 : index
    %get3A_26 = vector.load %arg4[%get3A_24, %get3A_25] : memref<128x1xf32, #tpu.memory_space<vmem>>, vector<128x1xf32>
    %dot_general3A = arith.constant dense<0.000000e+00> : vector<10000x1xf32>
    %dot_general3A_27 = tpu.matmul %max3A_23, %get3A_26, %dot_general3A {dimension_numbers = #tpu.dot_dimension_numbers<[1], [0], [0], [1], [0, 0, 1, 1], [], []>, transpose_lhs_hint = false} : vector<10000x128xf32>, vector<128x1xf32>, vector<10000x1xf32> -> vector<10000x1xf32>
    %iota3A = tpu.iota {dimensions = array<i32: 0>} : vector<64x10000xi32>
    %get3A_28 = arith.constant 0 : index
    %get3A_29 = arith.constant 0 : index
    %get3A_30 = vector.load %arg6[%get3A_28, %get3A_29] : memref<1x10000xi32, #tpu.memory_space<vmem>>, vector<1x10000xi32>
    %eq3A = vector.broadcast %get3A_30 : vector<1x10000xi32> to vector<64x10000xi32>
    %eq3A_31 = arith.cmpi eq, %iota3A, %eq3A : vector<64x10000xi32>
    %jit3A = arith.constant 1.000000e+00 : f32
    %jit3A_32 = arith.constant 0.000000e+00 : f32
    %broadcast_in_dim3A = vector.broadcast %jit3A : f32 to vector<64x10000xf32>
    %broadcast_in_dim3A_33 = vector.broadcast %jit3A_32 : f32 to vector<64x10000xf32>
    %select_n3A = arith.select %eq3A_31, %broadcast_in_dim3A, %broadcast_in_dim3A_33 : vector<64x10000xi1>, vector<64x10000xf32>
    %dot_general3A_34 = arith.constant dense<0.000000e+00> : vector<64x1xf32>
    %dot_general3A_35 = tpu.matmul %select_n3A, %dot_general3A_27, %dot_general3A_34 {dimension_numbers = #tpu.dot_dimension_numbers<[1], [0], [0], [1], [0, 0, 1, 1], [], []>, transpose_lhs_hint = false} : vector<64x10000xf32>, vector<10000x1xf32>, vector<64x1xf32> -> vector<64x1xf32>
    %reduce_sum3A = arith.constant dense<0.000000e+00> : vector<64xf32>
    %reduce_sum3A_36 = vector.multi_reduction <add>, %select_n3A, %reduce_sum3A [1] : vector<64x10000xf32> to vector<64xf32>
    %broadcast_in_dim3A_37 = vector.shape_cast %reduce_sum3A_36 : vector<64xf32> to vector<64x1xf32>
    %max3A_38 = arith.constant 1.000000e+00 : f32
    %max3A_39 = vector.broadcast %max3A_38 : f32 to vector<64x1xf32>
    %max3A_40 = arith.maximumf %broadcast_in_dim3A_37, %max3A_39 : vector<64x1xf32>
    %div3A = arith.divf %dot_general3A_35, %max3A_40 : vector<64x1xf32>
    %get3A_41 = arith.constant 0 : index
    %get3A_42 = arith.constant 0 : index
    %get3A_43 = vector.load %arg5[%get3A_41, %get3A_42] : memref<1x1xf32, #tpu.memory_space<vmem>>, vector<1x1xf32>
    %add3A_44 = vector.broadcast %get3A_43 : vector<1x1xf32> to vector<64x1xf32>
    %add3A_45 = arith.addf %div3A, %add3A_44 : vector<64x1xf32>
    %swap3A = arith.constant 0 : index
    %swap3A_46 = arith.constant 0 : index
    %swap3A_47 = vector.load %arg7[%swap3A, %swap3A_46] : memref<64x1xf32, #tpu.memory_space<vmem>>, vector<64x1xf32>
    tpu.vector_store %arg7[%swap3A, %swap3A_46], %add3A_45 {strides = array<i32>} : memref<64x1xf32, #tpu.memory_space<vmem>>, vector<64x1xf32>,
    return
  }
}

</mosaic_0001>

<sc_bundles>
// kernel: kernel.11.cloned.1.call-start
scs
__scs_entry_jumppad:
0x0: {  	(pc) =	sbr.rel $0x88, $3  }
0x1: {  	(tag) =	ssettag $0x0;
	lr =	simm.s32 $0x1  }
0x2: {  	[smem:$0x3F98] =	sst lr;
	_ =	strace $0xD0000000  }
0x3: {  	_ = 	snop  }
0x4: {  	_ = 	snop  }
0x5: {  	_ = 	snop  }
0x6: {  	_ = 	snop  }
0x7: {  	_ = 	snop  }
__scs_overlays_trampoline_lowered:
0x8: {  	[smem:$0x3FA7] =	sst s0  }
0x9: {  	[smem:$0x3FA8] =	sst s1  }
0xa: {  	[smem:$0x3FA9] =	sst s2  }
0xb: {  	[smem:$0x3FAA] =	sst s3  }
0xc: {  	[smem:$0x3FAB] =	sst s4  }
0xd: {  	[smem:$0x3FAC] =	sst s5  }
0xe: {  	[smem:$0x3FAD] =	sst s6  }
0xf: {  	[smem:$0x3FAE] =	sst s7  }
0x10: {  	[smem:$0x3FAF] =	sst s8  }
0x11: {  	[smem:$0x3FB0] =	sst s9;
	s0 =	simm.s32 @!p0 $0x0  }
0x12: {  	s1 =	sld [smem:$0x3F96];
	s0 =	simm.s32 @p0 $0x1  }
0x13: {  	[smem:$0x3FB1] =	sst s0;
	s0 =	simm.s32 @!p1 $0x0  }
0x14: {  	s2 =	sld [smem:$0x3F95];
	s0 =	simm.s32 @p1 $0x1  }
0x15: {  	[smem:$0x3FB2] =	sst s0;
	s0 =	simm.s32 @!p2 $0x0  }
0x16: {  	s3 =	sld [smem:$0x3FDB];
	s0 =	simm.s32 @p2 $0x1  }
0x17: {  	s4 =	simm.s32 $0x1BF5;
	[smem:$0x3FB4] =	sst s0  }
0x18: {  	s0 =	sld [smem:$0x3F97];
	_ =	swait.ge [sflag:s4], $0x0  }
0x19: {  	s7 =	sld [smem:$0x3F98]  }
0x1a: {  	s8 =	sadd.s32 $0xFFFFE003, lr  }
0x1b: {  	s9 =	sadd.s32 $0xFFFFFEF7, lr;
	s5 =	simm.s32 $0xFFFFFFFF;
	p2 =	slt.u32 s8, $0xFFFFF086  }
0x1c: {  	p1 =	slt.u32 s9, $0xF7A;
	s5 =	simm.s32 @!p2 $0x0  }
0x1d: {  	s5 =	simm.s32 @p1 $0x1;
	p0 =	seq.s32 s7, s2  }
0x1e: {  	s7 =	smul.u32 @!p0 $0xF7A, s2;
	p2 =	seq.s32 @!p0 s5, $0x0  }
0x1f: {  	s9 =	smul.u32 $0xF7A, s1;
	s8 =	simm.s32 @!p0 $0x1BF5;
	p2 =	por !p2, p0  }
0x20: {  	[sflag:s8] =	ssyncset.s32 @!p0 $0xFFFFF086;
	s6 =	sadd.s32 @!p0 s3, s7;
	s7 =	simm.s32 @!p0 $0x108  }
0x21: {  	s3 =	sadd.s32 s3, s9;
	s6 =	sadd.s32 @!p0 $0x88, s6;
	s7 =	simm.s32 @p2 $0x1082  }
0x22: {  	[simem:s7], [sflag:s8] =	dma.local @!p0 [hbm:s6], $0xF7A  }
0x23: {  	s9 =	sor.u32 $0xD0000000, s2;
	s6 =	simm.s32 $0x108;
	_ =	swait.ge @!p0 [sflag:s8], $0x0  }
0x24: {  	s3 =	sadd.s32 $0x88, s3;
	s6 =	simm.s32 @!p1 $0x1082;
	[sflag:s4] =	ssyncset.s32 $0xFFFFF086  }
0x25: {  	[simem:s6], [sflag:s4] =	dma.local [hbm:s3], $0xF7A  }
0x26: {  	[smem:$0x3F98] =	sst s1;
	(tag) =	ssettag s2;
	_ =	strace s9  }
0x27: {  	s1 =	sld [smem:$0x3FA8]  }
0x28: {  	s2 =	sld [smem:$0x3FA9]  }
0x29: {  	s4 =	sld [smem:$0x3FAB]  }
0x2a: {  	p0 =	seq.s32 s5, $0x0;
	s5 =	sld [smem:$0x3FAC]  }
0x2b: {  	s6 =	sld [smem:$0x3FAD]  }
0x2c: {  	s7 =	sld [smem:$0x3FAE]  }
0x2d: {  	s3 =	simm.s32 $0x108;
	s8 =	sld [smem:$0x3FAF]  }
0x2e: {  	s3 =	simm.s32 @!p0 $0x1082;
	s9 =	sld [smem:$0x3FB0]  }
0x2f: {  	lr =	sadd.s32 s0, s3;
	s0 =	sld [smem:$0x3FA7]  }
0x30: {  	s3 =	sld [smem:$0x3FAA]  }
0x31: {  	[smem:$0x3FB3] =	sst s10  }
0x32: {  	s10 =	sld [smem:$0x3FB1];
	_ =	sdelay $0x3  }
0x33: {  	p0 =	seq.s32 s10, $0x1;
	s10 =	sld [smem:$0x3FB3];
	_ =	sdelay $0x3  }
0x34: {  	[smem:$0x3FB3] =	sst s10  }
0x35: {  	s10 =	sld [smem:$0x3FB2];
	_ =	sdelay $0x3  }
0x36: {  	p1 =	seq.s32 s10, $0x1;
	s10 =	sld [smem:$0x3FB3];
	_ =	sdelay $0x3  }
0x37: {  	[smem:$0x3FB3] =	sst s10  }
0x38: {  	s10 =	sld [smem:$0x3FB4]  }
0x39: {  	_ = 	snop;
	(pc) =	sbr.ind lr, $3  }
0x3a: {  	_ = 	snop  }
0x3b: {  	_ = 	snop  }
0x3c: {  	p2 =	seq.s32 s10, $0x1;
	s10 =	sld [smem:$0x3FB3]  }
0x3d: {  	_ =	shalt  }
0x3e: {  	_ =	shalt  }
0x3f: {  	_ =	shalt  }
0x40: {  	_ =	shalt  }
0x41: {  	_ =	shalt  }
0x42: {  	_ =	shalt  }
0x43: {  	_ =	shalt  }
0x44: {  	_ =	shalt  }
0x45: {  	_ =	shalt  }
0x46: {  	_ =	shalt  }
0x47: {  	_ =	shalt  }
0x48: {  	_ =	shalt  }
0x49: {  	_ =	shalt  }
0x4a: {  	_ =	shalt  }
0x4b: {  	_ =	shalt  }
0x4c: {  	_ =	shalt  }
0x4d: {  	_ =	shalt  }
0x4e: {  	_ =	shalt  }
0x4f: {  	_ =	shalt  }
0x50: {  	_ =	shalt  }
0x51: {  	_ =	shalt  }
0x52: {  	_ =	shalt  }
0x53: {  	_ =	shalt  }
0x54: {  	_ =	shalt  }
0x55: {  	_ =	shalt  }
0x56: {  	_ =	shalt  }
0x57: {  	_ =	shalt  }
0x58: {  	_ =	shalt  }
0x59: {  	_ =	shalt  }
0x5a: {  	_ =	shalt  }
0x5b: {  	_ =	shalt  }
0x5c: {  	_ =	shalt  }
0x5d: {  	_ =	shalt  }
0x5e: {  	_ =	shalt  }
0x5f: {  	_ =	shalt  }
0x60: {  	_ =	shalt  }
0x61: {  	_ =	shalt  }
0x62: {  	_ =	shalt  }
0x63: {  	_ =	shalt  }
0x64: {  	_ =	shalt  }
0x65: {  	_ =	shalt  }
0x66: {  	_ =	shalt  }
0x67: {  	_ =	shalt  }
0x68: {  	_ =	shalt  }
0x69: {  	_ =	shalt  }
0x6a: {  	_ =	shalt  }
0x6b: {  	_ =	shalt  }
0x6c: {  	_ =	shalt  }
0x6d: {  	_ =	shalt  }
0x6e: {  	_ =	shalt  }
0x6f: {  	_ =	shalt  }
0x70: {  	_ =	shalt  }
0x71: {  	_ =	shalt  }
0x72: {  	_ =	shalt  }
0x73: {  	_ =	shalt  }
0x74: {  	_ =	shalt  }
0x75: {  	_ =	shalt  }
0x76: {  	_ =	shalt  }
0x77: {  	_ =	shalt  }
0x78: {  	_ =	shalt  }
0x79: {  	_ =	shalt  }
0x7a: {  	_ =	shalt  }
0x7b: {  	_ =	shalt  }
0x7c: {  	_ =	shalt  }
0x7d: {  	_ =	shalt  }
0x7e: {  	_ =	shalt  }
0x7f: {  	_ =	shalt  }
0x80: {  	_ =	shalt  }
0x81: {  	_ =	shalt  }
0x82: {  	_ =	shalt  }
0x83: {  	_ =	shalt  }
0x84: {  	_ =	shalt  }
0x85: {  	_ =	shalt  }
0x86: {  	_ =	shalt  }
0x87: {  	_ =	shalt  }
.Lfunc_end0:
.L_simem_size_0:
called_computation.1_lowered:
.L_overlay_start_0:
0x88: {  	s2 =	sld [smem:$0x3FD9]  }
0x89: {  	s3 =	sld [smem:$0x3FFE];
	_ =	sdelay $0x1  }
0x8a: {  	s1 =	srdreg.scid  }
0x8b: {  	s0 =	sand.u32 $0x1, s1  }
0x8c: {  	s16 =	sshll.u32 s0, $0xA;
	s2 =	sadd.s32 s3, s2  }
0x8d: {  	s2 =	sadd.s32 s2, s16  }
0x8e: {  	[smem:$0x3FBF] =	sst s2  }
0x8f: {  	_ = 	snop  }
0x90: {  	(tm) =	ssettm $0x1  }
0x91: {  	s17 =	sld [smem:$0x3FFB];
	_ =	sdelay $0x3  }
0x92: {  	_ =	strace s17  }
0x93: {  	s2 =	sld [smem:$0x3FFC];
	_ =	sdelay $0x3  }
0x94: {  	_ =	strace s2  }
0x95: {  	s2 =	sld [smem:$0x3FFD];
	_ =	sdelay $0x3  }
0x96: {  	_ =	strace s2  }
0x97: {  	_ =	strace $0x8FFFFFFF  }
0x98: {  	s18 =	sld [smem:$0x3FDB];
	_ =	sdelay $0x1  }
0x99: {  	s19 =	simm.s32 $_scs_section_size  }
0x9a: {  	s4 =	simm.s32 $_size__tile_overlayer_lowered;
	s5 =	simm.s32 $_tile_overlayer_lowered  }
0x9b: {  	s22 =	simm.s32 $0x1BFF;
	s21 =	sshll.u32 s5, $0x1;
	s2 =	sadd.s32 s19, s18  }
0x9c: {  	s6 =	simm.s32 $0x0;
	s20 =	sshll.u32 s4, $0x1;
	s4 =	sadd.s32 s21, s2  }
0x9d: {  	[timem:s6], [sflag:s22] =	dma.local [hbm:s4], s20  }
0x9e: {  	_ =	swait.ge [sflag:s22], s20  }
0x9f: {  	s3 =	ssub.s32 $0x0, s20;
	[sflag:s22] =	ssyncset.done $0x0  }
0xa0: {  	[sflag:s22] =	ssyncadd.s32 s3;
	_ =	sdelay $0x1  }
0xa1: {  	s23 =	simm.s32 $0x1B8B  }
0xa2: {  	_ =	swait.ge [sflag:s23], $0x1  }
0xa3: {  	[sflag:s23] =	ssyncset.done $0x0  }
0xa4: {  	s25 =	simm.s32 $0x1B8E;
	s24 =	sld [smem:$0x3FFE];
	[sflag:s23] =	ssyncadd.s32 $0xFFFFFFFF  }
0xa5: {  	s26 =	simm.s32 $execute0_lowered;
	[smem:$0x3FD2] =	sst s25  }
0xa6: {  	s4 =	sshll.u32 s26, $0x1;
	_ =	strace $0x80000049;
	[dreg:$0x1] =	wrdreg $0xFFFFFFFF  }
0xa7: {  	s28 =	simm.s32 $_size_execute0_lowered;
	s2 =	sadd.s32 s2, s4;
	[dreg:$0x0] =	wrdreg $0x0  }
0xa8: {  	s4 =	sshll.u32 s28, $0x1;
	[dreg:$0x2] =	wrdreg s2  }
0xa9: {  	[dreg:$0x3] =	wrdreg s4  }
0xaa: {  	[dreg:$0x4] =	wrdreg $0xC0  }
0xab: {  	_ =	task [dreg:s6], $0x5FFFF  }
0xac: {  	[dreg:$0x1] =	wrdreg $0xFFFFFFFF  }
0xad: {  	[dreg:$0x0] =	wrdreg $0x60  }
0xae: {  	[dreg:$0x2] =	wrdreg s24  }
0xaf: {  	[dreg:$0x3] =	wrdreg $0x41000  }
0xb0: {  	[dreg:$0x4] =	wrdreg $0x9  }
0xb1: {  	_ =	task.clear_ibuf [dreg:s6], $0x5FFFF;
	_ =	strace $0x90000049  }
0xb2: {  	s29 =	simm.s32 $0x9;
	_ =	strace $0x8000004B  }
0xb3: {  	_ =	swait.ge [sflag:s29], $0x1  }
0xb4: {  	[sflag:s29] =	ssyncadd.s32 $0xFFFFFFFF  }
0xb5: {  	_ =	strace $0x9000004B  }
0xb6: {  	_ =	sfence  }
0xb7: {  	s30 =	sld [smem:$0x0];
	_ =	sdelay $0x2  }
0xb8: {  	s31 =	sshll.u32 s1, $0xD;
	s1 =	sshrl.u32 s1, $0x2  }
0xb9: {  	s3 =	sand.u32 $0x4000, s31;
	s1 =	sadd.s32 s1, s30  }
0xba: {  	s0 =	sor.u32 s3, s0;
	s1 =	sshll.u32 s1, $0x11  }
0xbb: {  	s0 =	sor.u32 s1, s0  }
0xbc: {  	s0 =	sadd.s32 $0x8F2B, s0  }
0xbd: {  	[sflag:s0] =	ssyncadd.remote.s32 $0x1  }
0xbe: {  	_ =	sfence.sel $0xFFFF  }
0xbf: {  	[dreg:$0x0] =	wrdreg $0xFFFFFFFF;
	(pc) =	sbr.abs _section_cstart, $3  }
0xc0: {  	[dreg:$0x1] =	wrdreg $0xFFFFFFFF  }
0xc1: {  	_ =	task.clear_ibuf [dreg:s6], $0x2FFFF;
	_ =	strace $0x9FFFFFFF  }
0xc2: {  	(tm) =	ssettm $0x7FFFFFFF  }
0xc3: {  	_ =	shalt  }
tec
execute0_lowered:
.L_overlay_start_1:
0x0: {  	(tag) =	ssettag $0x1  }
0x1: {  	s5 =	rddreg [dreg:$0x0];
	s0 =	srdreg.scid  }
0x2: {  	s2 =	rddreg [dreg:$0x1];
	s1 =	stileid.u32  }
0x3: {  	s3 =	simm.s32 $0x0;
	s13 =	simm.s32 $0x80;
	s8 =	smul.u32 $0x13C00, s1  }
0x4: {  	s14 =	simm.s32 $0x100;
	s15 =	simm.s32 $0x1;
	s26 =	smul.u32 $0x4F000, s1  }
0x5: {  	s6 =	sand.u32 $0x1, s0;
	s0 =	rddreg [dreg:$0x2];
	s30 =	smul.u32 $0x4F0, s1  }
0x6: {  	s16 =	simm.s32 $0x0;
	[smem:$0x7FF] =	sst s3;
	s7 =	smul.u32 $0x4F00, s6  }
0x7: {  	s4 =	sadd.s32 $0x16A00, s5;
	s31 =	sshll.u32 s1, $0x6;
	s9 =	smul.u32 $0x13C000, s6  }
0x8: {  	_ =	strace $0x8000004A;
	s6 =	ssub.s32 $0x2, s6;
	s25 =	sshrl.u32 s8, $0x3  }
0x9: {  	s28 =	sshrl.u32 s6, $0x1;
	s29 =	sshrl.u32 s26, $0x2;
	s10 =	sadd.s32 s7, s5  }
0xa: {  	s8 =	sadd.s32 s8, s9;
	s7 =	sadd.s32 s25, s5;
	s11 =	ssub.s32 s6, s28  }
0xb: {  	s12 =	sadd.s32 s29, s2;
	s6 =	sor.u32 $0x1C02, s31;
	s8 =	sshrl.u32 s8, $0x3  }
0xc: {  	s10 =	sadd.s32 s30, s10;
	s8 =	sadd.s32 s8, s5;
	s5 =	sadd.s32 $0x3DC00, s7  }
0xd: {  	s9 =	sadd.s32 $0x1E00, s10;
	s10 =	sadd.s32 $0xCC00, s10;
	s7 =	sadd.s32 $0x65400, s8  }
0xe: {  	s8 =	smax.u32 s11, $0x1;
	s11 =	sshrl.u32 s12, $0x3;
	s12 =	simm.s32 $0x2  }
.LBB2_1:
0xf: {  	[spmem:s11], [sflag:s6] =	dma.local [hbm:s5], $0x2780  }
0x10: {  	_ =	swait.ge [sflag:s12], $0x2780  }
0x11: {  	[sflag:s12] =	ssyncset.done $0x0  }
0x12: {  	[sflag:s12] =	ssyncadd.s32 $0xFFFFD880  }
0x13: {  	s17 =	sadd.s32 $0x0, s10;
	[bflag:$0x0] =	sbarrier.arrive $0xFFFF  }
0x14: {  	[tilespmem:s3], [sflag:$0x2] =	stream.linear.gather [hbm4b:s17+s3], $0x80, $0x38;
	[tilespmem:$0x17D00] =	vst v63  }
0x15: {  	_ =	swait.ge [sflag:s12], $0x80  }
0x16: {  	[sflag:s12] =	ssyncset.done $0x0  }
0x17: {  	s31 =	sadd.s32 $0x0, s9;
	[sflag:s12] =	ssyncadd.s32 $0xFFFFFF80  }
0x18: {  	[tilespmem:s13], [sflag:$0x2] =	stream.linear.gather [hbm4b:s31+s3], $0x80, $0x38;
	[tilespmem:$0x17D00] =	vst v63  }
0x19: {  	_ =	swait.ge [sflag:s12], $0x80  }
0x1a: {  	[sflag:s12] =	ssyncset.done $0x0  }
0x1b: {  	[sflag:s12] =	ssyncadd.s32 $0xFFFFFF80  }
0x1c: {  	[tilespmem:s14], [sflag:$0x1] =	stream.indirect.gather [hbm4b:s4+s13], $0x80, s3, s13, $0xb8;
	[tilespmem:$0x17D00] =	vst v63  }
0x1d: {  	_ =	swait.ge [sflag:s15], $0x4000  }
0x1e: {  	[sflag:s15] =	ssyncset.done $0x0  }
0x1f: {  	[sflag:s15] =	ssyncadd.s32 $0xFFFFC000  }
0x20: {  	[spmem:s2] =	stream.indirect.scatter.add.f32 [tilespmem:s14], [sflag:$0x2], $0x80, s13, s13, $0xb8;
	[tilespmem:$0x17D00] =	vst v63  }
0x21: {  	_ =	swait.ge [sflag:s12], $0x4000  }
0x22: {  	s18 =	simm.s32 $0x20;
	s17 =	simm.s32 $0x10;
	[sflag:s12] =	ssyncset.done $0x0  }
.LBB2_2:
0x23: {  	s19 =	sadd.s32 s17, s10  }
0x24: {  	[sflag:s12] =	ssyncadd.s32 $0xFFFFC000;
	s20 =	smov.u32 s18;
	s21 =	sadd.s32 $0x10, s18  }
0x25: {  	[tilespmem:s3], [sflag:$0x2] =	stream.linear.gather [hbm4b:s19+s3], $0x80, $0x38;
	[tilespmem:$0x17D00] =	vst v63  }
0x26: {  	p0 =	sne.s32 s18, $0x4E0;
	_ =	swait.ge [sflag:s12], $0x80  }
0x27: {  	[sflag:s12] =	ssyncset.done $0x0  }
0x28: {  	s18 =	sadd.s32 s17, s9;
	s17 =	smov.u32 s20;
	[sflag:s12] =	ssyncadd.s32 $0xFFFFFF80  }
0x29: {  	[tilespmem:s13], [sflag:$0x2] =	stream.linear.gather [hbm4b:s18+s3], $0x80, $0x38;
	[tilespmem:$0x17D00] =	vst v63  }
0x2a: {  	_ =	swait.ge [sflag:s12], $0x80  }
0x2b: {  	[sflag:s12] =	ssyncset.done $0x0  }
0x2c: {  	[sflag:s12] =	ssyncadd.s32 $0xFFFFFF80  }
0x2d: {  	[tilespmem:s14], [sflag:$0x1] =	stream.indirect.gather [hbm4b:s4+s13], $0x80, s3, s13, $0xb8;
	[tilespmem:$0x17D00] =	vst v63  }
0x2e: {  	_ =	swait.ge [sflag:s15], $0x4000  }
.Ltmp0:
0x2f: {  	[sflag:s15] =	ssyncset.done $0x0;
	(pc) =	sbr.rel @p0 .LBB2_2-.Ltmp0, $4  }
0x30: {  	[sflag:s15] =	ssyncadd.s32 $0xFFFFC000  }
0x31: {  	[spmem:s2] =	stream.indirect.scatter.add.f32 [tilespmem:s14], [sflag:$0x2], $0x80, s13, s13, $0xb8;
	[tilespmem:$0x17D00] =	vst v63  }
0x32: {  	_ =	swait.ge [sflag:s12], $0x4000  }
0x33: {  	s18 =	smov.u32 s21;
	[sflag:s12] =	ssyncset.done $0x0  }
0x34: {  	s18 =	sadd.s32 s17, s10;
	[sflag:s12] =	ssyncadd.s32 $0xFFFFC000  }
0x35: {  	[tilespmem:s3], [sflag:$0x2] =	stream.linear.gather [hbm4b:s18+s3], $0x80, $0x38;
	[tilespmem:$0x17D00] =	vst v63  }
0x36: {  	_ =	swait.ge [sflag:s12], $0x80  }
0x37: {  	[sflag:s12] =	ssyncset.done $0x0  }
0x38: {  	s31 =	sadd.s32 s17, s9;
	[sflag:s12] =	ssyncadd.s32 $0xFFFFFF80  }
0x39: {  	[tilespmem:s13], [sflag:$0x2] =	stream.linear.gather [hbm4b:s31+s3], $0x80, $0x38;
	[tilespmem:$0x17D00] =	vst v63  }
0x3a: {  	_ =	swait.ge [sflag:s12], $0x80  }
0x3b: {  	[sflag:s12] =	ssyncset.done $0x0  }
0x3c: {  	[sflag:s12] =	ssyncadd.s32 $0xFFFFFF80  }
0x3d: {  	[tilespmem:s14], [sflag:$0x1] =	stream.indirect.gather [hbm4b:s4+s13], $0x80, s3, s13, $0xb8;
	[tilespmem:$0x17D00] =	vst v63  }
0x3e: {  	_ =	swait.ge [sflag:s15], $0x4000  }
0x3f: {  	[sflag:s15] =	ssyncset.done $0x0  }
0x40: {  	[sflag:s15] =	ssyncadd.s32 $0xFFFFC000  }
0x41: {  	[spmem:s2] =	stream.indirect.scatter.add.f32 [tilespmem:s14], [sflag:$0x2], $0x80, s13, s13, $0xb8;
	[tilespmem:$0x17D00] =	vst v63  }
0x42: {  	_ =	swait.ge [sflag:s12], $0x4000  }
0x43: {  	s16 =	sadd.s32 $0x1, s16;
	[sflag:s12] =	ssyncset.done $0x0  }
0x44: {  	p0 =	sne.s32 s16, s8;
	[sflag:s12] =	ssyncadd.s32 $0xFFFFC000  }
.Ltmp1:
0x45: {  	[bflag:$0x0] =	sbarrier.arrive $0xFFFF;
	(pc) =	sbr.rel @p0 .LBB2_1-.Ltmp1, $4  }
0x46: {  	[hbm:s7], [sflag:s6] =	dma.local [spmem:s11], $0x2780  }
0x47: {  	_ =	swait.ge [sflag:s12], $0x2780  }
0x48: {  	[sflag:s12] =	ssyncset.done $0x0  }
0x49: {  	[sflag:s12] =	ssyncadd.s32 $0xFFFFD880  }
0x4a: {  	_ =	sfence.sel $0x180000  }
0x4b: {  	[bflag:$0x0] =	sbarrier.arrive $0xFFFF  }
0x4c: {  	p0 =	sne.s32 s1, $0x0;
	_ =	strace $0x9000004A  }
0x4d: {  	s0 =	sadd.s32 @!p0 $0x100000, s0;
	[bflag:$0x2] =	sbarrier.arrive $0xFFFF  }
0x4e: {  	[sflag:s0] =	ssyncadd.tile.s32 @!p0 $0x1;
	_ =	shalt  }
.Lfunc_end2:
_tile_overlayer_lowered:
.L_overlay_start_2:
0x4f: {  	(tag) =	ssettag $0x2  }
0x50: {  	s0 =	rddreg [dreg:$0x0];
	s2 =	stileid.u32  }
0x51: {  	s1 =	rddreg [dreg:$0x1];
	p0 =	sne.s32 s2, $0x0  }
0x52: {  	s3 =	rddreg [dreg:$0x2];
	[bflag:$0x3] =	sbarrier.arrive $0xFFFF;
	s2 =	simm.s32 @!p0 $0x1C02  }
0x53: {  	[timem:s3], [sflag:s2] =	dma.local @!p0 [hbm:s0], s1  }
0x54: {  	s0 =	simm.s32 @!p0 $0x2  }
0x55: {  	_ =	swait.ge @!p0 [sflag:s0], s1  }
0x56: {  	s1 =	ssub.s32 @!p0 $0x0, s1;
	[sflag:s0] =	ssyncset.done @!p0 $0x0  }
0x57: {  	[sflag:s0] =	ssyncadd.s32 @!p0 s1  }
0x58: {  	[bflag:$0x3] =	sbarrier.arrive $0xFFFF  }
0x59: {  	_ =	shalt  }

// kernel: kernel.14.cloned.1.call-start
scs
__scs_entry_jumppad:
0x0: {  	(pc) =	sbr.rel $0x88, $3  }
0x1: {  	(tag) =	ssettag $0x0;
	lr =	simm.s32 $0x1  }
0x2: {  	[smem:$0x3F98] =	sst lr;
	_ =	strace $0xD0000000  }
0x3: {  	_ = 	snop  }
0x4: {  	_ = 	snop  }
0x5: {  	_ = 	snop  }
0x6: {  	_ = 	snop  }
0x7: {  	_ = 	snop  }
__scs_overlays_trampoline_lowered:
0x8: {  	[smem:$0x3FA7] =	sst s0  }
0x9: {  	[smem:$0x3FA8] =	sst s1  }
0xa: {  	[smem:$0x3FA9] =	sst s2  }
0xb: {  	[smem:$0x3FAA] =	sst s3  }
0xc: {  	[smem:$0x3FAB] =	sst s4  }
0xd: {  	[smem:$0x3FAC] =	sst s5  }
0xe: {  	[smem:$0x3FAD] =	sst s6  }
0xf: {  	[smem:$0x3FAE] =	sst s7  }
0x10: {  	[smem:$0x3FAF] =	sst s8  }
0x11: {  	[smem:$0x3FB0] =	sst s9;
	s0 =	simm.s32 @!p0 $0x0  }
0x12: {  	s1 =	sld [smem:$0x3F96];
	s0 =	simm.s32 @p0 $0x1  }
0x13: {  	[smem:$0x3FB1] =	sst s0;
	s0 =	simm.s32 @!p1 $0x0  }
0x14: {  	s2 =	sld [smem:$0x3F95];
	s0 =	simm.s32 @p1 $0x1  }
0x15: {  	[smem:$0x3FB2] =	sst s0;
	s0 =	simm.s32 @!p2 $0x0  }
0x16: {  	s3 =	sld [smem:$0x3FDB];
	s0 =	simm.s32 @p2 $0x1  }
0x17: {  	s4 =	simm.s32 $0x1BF5;
	[smem:$0x3FB4] =	sst s0  }
0x18: {  	s0 =	sld [smem:$0x3F97];
	_ =	swait.ge [sflag:s4], $0x0  }
0x19: {  	s7 =	sld [smem:$0x3F98]  }
0x1a: {  	s8 =	sadd.s32 $0xFFFFE003, lr  }
0x1b: {  	s9 =	sadd.s32 $0xFFFFFEF7, lr;
	s5 =	simm.s32 $0xFFFFFFFF;
	p2 =	slt.u32 s8, $0xFFFFF086  }
0x1c: {  	p1 =	slt.u32 s9, $0xF7A;
	s5 =	simm.s32 @!p2 $0x0  }
0x1d: {  	s5 =	simm.s32 @p1 $0x1;
	p0 =	seq.s32 s7, s2  }
0x1e: {  	s7 =	smul.u32 @!p0 $0xF7A, s2;
	p2 =	seq.s32 @!p0 s5, $0x0  }
0x1f: {  	s9 =	smul.u32 $0xF7A, s1;
	s8 =	simm.s32 @!p0 $0x1BF5;
	p2 =	por !p2, p0  }
0x20: {  	[sflag:s8] =	ssyncset.s32 @!p0 $0xFFFFF086;
	s6 =	sadd.s32 @!p0 s3, s7;
	s7 =	simm.s32 @!p0 $0x108  }
0x21: {  	s3 =	sadd.s32 s3, s9;
	s6 =	sadd.s32 @!p0 $0x88, s6;
	s7 =	simm.s32 @p2 $0x1082  }
0x22: {  	[simem:s7], [sflag:s8] =	dma.local @!p0 [hbm:s6], $0xF7A  }
0x23: {  	s9 =	sor.u32 $0xD0000000, s2;
	s6 =	simm.s32 $0x108;
	_ =	swait.ge @!p0 [sflag:s8], $0x0  }
0x24: {  	s3 =	sadd.s32 $0x88, s3;
	s6 =	simm.s32 @!p1 $0x1082;
	[sflag:s4] =	ssyncset.s32 $0xFFFFF086  }
0x25: {  	[simem:s6], [sflag:s4] =	dma.local [hbm:s3], $0xF7A  }
0x26: {  	[smem:$0x3F98] =	sst s1;
	(tag) =	ssettag s2;
	_ =	strace s9  }
0x27: {  	s1 =	sld [smem:$0x3FA8]  }
0x28: {  	s2 =	sld [smem:$0x3FA9]  }
0x29: {  	s4 =	sld [smem:$0x3FAB]  }
0x2a: {  	p0 =	seq.s32 s5, $0x0;
	s5 =	sld [smem:$0x3FAC]  }
0x2b: {  	s6 =	sld [smem:$0x3FAD]  }
0x2c: {  	s7 =	sld [smem:$0x3FAE]  }
0x2d: {  	s3 =	simm.s32 $0x108;
	s8 =	sld [smem:$0x3FAF]  }
0x2e: {  	s3 =	simm.s32 @!p0 $0x1082;
	s9 =	sld [smem:$0x3FB0]  }
0x2f: {  	lr =	sadd.s32 s0, s3;
	s0 =	sld [smem:$0x3FA7]  }
0x30: {  	s3 =	sld [smem:$0x3FAA]  }
0x31: {  	[smem:$0x3FB3] =	sst s10  }
0x32: {  	s10 =	sld [smem:$0x3FB1];
	_ =	sdelay $0x3  }
0x33: {  	p0 =	seq.s32 s10, $0x1;
	s10 =	sld [smem:$0x3FB3];
	_ =	sdelay $0x3  }
0x34: {  	[smem:$0x3FB3] =	sst s10  }
0x35: {  	s10 =	sld [smem:$0x3FB2];
	_ =	sdelay $0x3  }
0x36: {  	p1 =	seq.s32 s10, $0x1;
	s10 =	sld [smem:$0x3FB3];
	_ =	sdelay $0x3  }
0x37: {  	[smem:$0x3FB3] =	sst s10  }
0x38: {  	s10 =	sld [smem:$0x3FB4]  }
0x39: {  	_ = 	snop;
	(pc) =	sbr.ind lr, $3  }
0x3a: {  	_ = 	snop  }
0x3b: {  	_ = 	snop  }
0x3c: {  	p2 =	seq.s32 s10, $0x1;
	s10 =	sld [smem:$0x3FB3]  }
0x3d: {  	_ =	shalt  }
0x3e: {  	_ =	shalt  }
0x3f: {  	_ =	shalt  }
0x40: {  	_ =	shalt  }
0x41: {  	_ =	shalt  }
0x42: {  	_ =	shalt  }
0x43: {  	_ =	shalt  }
0x44: {  	_ =	shalt  }
0x45: {  	_ =	shalt  }
0x46: {  	_ =	shalt  }
0x47: {  	_ =	shalt  }
0x48: {  	_ =	shalt  }
0x49: {  	_ =	shalt  }
0x4a: {  	_ =	shalt  }
0x4b: {  	_ =	shalt  }
0x4c: {  	_ =	shalt  }
0x4d: {  	_ =	shalt  }
0x4e: {  	_ =	shalt  }
0x4f: {  	_ =	shalt  }
0x50: {  	_ =	shalt  }
0x51: {  	_ =	shalt  }
0x52: {  	_ =	shalt  }
0x53: {  	_ =	shalt  }
0x54: {  	_ =	shalt  }
0x55: {  	_ =	shalt  }
0x56: {  	_ =	shalt  }
0x57: {  	_ =	shalt  }
0x58: {  	_ =	shalt  }
0x59: {  	_ =	shalt  }
0x5a: {  	_ =	shalt  }
0x5b: {  	_ =	shalt  }
0x5c: {  	_ =	shalt  }
0x5d: {  	_ =	shalt  }
0x5e: {  	_ =	shalt  }
0x5f: {  	_ =	shalt  }
0x60: {  	_ =	shalt  }
0x61: {  	_ =	shalt  }
0x62: {  	_ =	shalt  }
0x63: {  	_ =	shalt  }
0x64: {  	_ =	shalt  }
0x65: {  	_ =	shalt  }
0x66: {  	_ =	shalt  }
0x67: {  	_ =	shalt  }
0x68: {  	_ =	shalt  }
0x69: {  	_ =	shalt  }
0x6a: {  	_ =	shalt  }
0x6b: {  	_ =	shalt  }
0x6c: {  	_ =	shalt  }
0x6d: {  	_ =	shalt  }
0x6e: {  	_ =	shalt  }
0x6f: {  	_ =	shalt  }
0x70: {  	_ =	shalt  }
0x71: {  	_ =	shalt  }
0x72: {  	_ =	shalt  }
0x73: {  	_ =	shalt  }
0x74: {  	_ =	shalt  }
0x75: {  	_ =	shalt  }
0x76: {  	_ =	shalt  }
0x77: {  	_ =	shalt  }
0x78: {  	_ =	shalt  }
0x79: {  	_ =	shalt  }
0x7a: {  	_ =	shalt  }
0x7b: {  	_ =	shalt  }
0x7c: {  	_ =	shalt  }
0x7d: {  	_ =	shalt  }
0x7e: {  	_ =	shalt  }
0x7f: {  	_ =	shalt  }
0x80: {  	_ =	shalt  }
0x81: {  	_ =	shalt  }
0x82: {  	_ =	shalt  }
0x83: {  	_ =	shalt  }
0x84: {  	_ =	shalt  }
0x85: {  	_ =	shalt  }
0x86: {  	_ =	shalt  }
0x87: {  	_ =	shalt  }
.Lfunc_end0:
.L_simem_size_0:
called_computation.2_lowered:
.L_overlay_start_0:
0x88: {  	s2 =	sld [smem:$0x3FD9]  }
0x89: {  	s3 =	sld [smem:$0x3FFE];
	_ =	sdelay $0x1  }
0x8a: {  	s1 =	srdreg.scid  }
0x8b: {  	s0 =	sand.u32 $0x1, s1  }
0x8c: {  	s16 =	sshll.u32 s0, $0xA;
	s2 =	sadd.s32 s3, s2  }
0x8d: {  	s2 =	sadd.s32 s2, s16  }
0x8e: {  	[smem:$0x3FBF] =	sst s2  }
0x8f: {  	_ = 	snop  }
0x90: {  	(tm) =	ssettm $0x1  }
0x91: {  	s17 =	sld [smem:$0x3FFB];
	_ =	sdelay $0x3  }
0x92: {  	_ =	strace s17  }
0x93: {  	s2 =	sld [smem:$0x3FFC];
	_ =	sdelay $0x3  }
0x94: {  	_ =	strace s2  }
0x95: {  	s2 =	sld [smem:$0x3FFD];
	_ =	sdelay $0x3  }
0x96: {  	_ =	strace s2  }
0x97: {  	_ =	strace $0x8FFFFFFF  }
0x98: {  	s18 =	sld [smem:$0x3FDB];
	_ =	sdelay $0x1  }
0x99: {  	s19 =	simm.s32 $_scs_section_size  }
0x9a: {  	s4 =	simm.s32 $_size__tile_overlayer_lowered;
	s5 =	simm.s32 $_tile_overlayer_lowered  }
0x9b: {  	s22 =	simm.s32 $0x1BFF;
	s21 =	sshll.u32 s5, $0x1;
	s2 =	sadd.s32 s19, s18  }
0x9c: {  	s6 =	simm.s32 $0x0;
	s20 =	sshll.u32 s4, $0x1;
	s4 =	sadd.s32 s21, s2  }
0x9d: {  	[timem:s6], [sflag:s22] =	dma.local [hbm:s4], s20  }
0x9e: {  	_ =	swait.ge [sflag:s22], s20  }
0x9f: {  	s3 =	ssub.s32 $0x0, s20;
	[sflag:s22] =	ssyncset.done $0x0  }
0xa0: {  	[sflag:s22] =	ssyncadd.s32 s3;
	_ =	sdelay $0x1  }
0xa1: {  	s23 =	simm.s32 $0x1B8B  }
0xa2: {  	_ =	swait.ge [sflag:s23], $0x1  }
0xa3: {  	[sflag:s23] =	ssyncset.done $0x0  }
0xa4: {  	s25 =	simm.s32 $0x1B8E;
	s24 =	sld [smem:$0x3FFE];
	[sflag:s23] =	ssyncadd.s32 $0xFFFFFFFF  }
0xa5: {  	s26 =	simm.s32 $execute0_lowered;
	[smem:$0x3FD2] =	sst s25  }
0xa6: {  	s4 =	sshll.u32 s26, $0x1;
	_ =	strace $0x8000004C;
	[dreg:$0x1] =	wrdreg $0xFFFFFFFF  }
0xa7: {  	s28 =	simm.s32 $_size_execute0_lowered;
	s2 =	sadd.s32 s2, s4;
	[dreg:$0x0] =	wrdreg $0x0  }
0xa8: {  	s4 =	sshll.u32 s28, $0x1;
	[dreg:$0x2] =	wrdreg s2  }
0xa9: {  	[dreg:$0x3] =	wrdreg s4  }
0xaa: {  	[dreg:$0x4] =	wrdreg $0xC0  }
0xab: {  	_ =	task [dreg:s6], $0x5FFFF  }
0xac: {  	[dreg:$0x1] =	wrdreg $0xFFFFFFFF  }
0xad: {  	[dreg:$0x0] =	wrdreg $0x60  }
0xae: {  	[dreg:$0x2] =	wrdreg s24  }
0xaf: {  	[dreg:$0x3] =	wrdreg $0x41000  }
0xb0: {  	[dreg:$0x4] =	wrdreg $0x9  }
0xb1: {  	_ =	task.clear_ibuf [dreg:s6], $0x5FFFF;
	_ =	strace $0x9000004C  }
0xb2: {  	s29 =	simm.s32 $0x9;
	_ =	strace $0x8000004E  }
0xb3: {  	_ =	swait.ge [sflag:s29], $0x1  }
0xb4: {  	[sflag:s29] =	ssyncadd.s32 $0xFFFFFFFF  }
0xb5: {  	_ =	strace $0x9000004E  }
0xb6: {  	_ =	sfence  }
0xb7: {  	s30 =	sld [smem:$0x0];
	_ =	sdelay $0x2  }
0xb8: {  	s31 =	sshll.u32 s1, $0xD;
	s1 =	sshrl.u32 s1, $0x2  }
0xb9: {  	s3 =	sand.u32 $0x4000, s31;
	s1 =	sadd.s32 s1, s30  }
0xba: {  	s0 =	sor.u32 s3, s0;
	s1 =	sshll.u32 s1, $0x11  }
0xbb: {  	s0 =	sor.u32 s1, s0  }
0xbc: {  	s0 =	sadd.s32 $0x8F2B, s0  }
0xbd: {  	[sflag:s0] =	ssyncadd.remote.s32 $0x1  }
0xbe: {  	_ =	sfence.sel $0xFFFF  }
0xbf: {  	[dreg:$0x0] =	wrdreg $0xFFFFFFFF;
	(pc) =	sbr.abs _section_cstart, $3  }
0xc0: {  	[dreg:$0x1] =	wrdreg $0xFFFFFFFF  }
0xc1: {  	_ =	task.clear_ibuf [dreg:s6], $0x2FFFF;
	_ =	strace $0x9FFFFFFF  }
0xc2: {  	(tm) =	ssettm $0x7FFFFFFF  }
0xc3: {  	_ =	shalt  }
tec
execute0_lowered:
.L_overlay_start_1:
0x0: {  	(tag) =	ssettag $0x1  }
0x1: {  	s5 =	rddreg [dreg:$0x0];
	s0 =	srdreg.scid  }
0x2: {  	s2 =	rddreg [dreg:$0x1];
	s1 =	stileid.u32  }
0x3: {  	s3 =	simm.s32 $0x0;
	s13 =	simm.s32 $0x80;
	s8 =	smul.u32 $0x13C00, s1  }
0x4: {  	s14 =	simm.s32 $0x100;
	s15 =	simm.s32 $0x1;
	s26 =	smul.u32 $0x4F000, s1  }
0x5: {  	s6 =	sand.u32 $0x1, s0;
	s0 =	rddreg [dreg:$0x2];
	s30 =	smul.u32 $0x4F0, s1  }
0x6: {  	s16 =	simm.s32 $0x0;
	[smem:$0x7FF] =	sst s3;
	s7 =	smul.u32 $0x4F00, s6  }
0x7: {  	s4 =	sadd.s32 $0x16A00, s5;
	s31 =	sshll.u32 s1, $0x6;
	s9 =	smul.u32 $0x13C000, s6  }
0x8: {  	_ =	strace $0x8000004D;
	s6 =	ssub.s32 $0x2, s6;
	s25 =	sshrl.u32 s8, $0x3  }
0x9: {  	s28 =	sshrl.u32 s6, $0x1;
	s29 =	sshrl.u32 s26, $0x2;
	s10 =	sadd.s32 s7, s5  }
0xa: {  	s8 =	sadd.s32 s8, s9;
	s7 =	sadd.s32 s25, s5;
	s11 =	ssub.s32 s6, s28  }
0xb: {  	s12 =	sadd.s32 s29, s2;
	s6 =	sor.u32 $0x1C02, s31;
	s8 =	sshrl.u32 s8, $0x3  }
0xc: {  	s10 =	sadd.s32 s30, s10;
	s8 =	sadd.s32 s8, s5;
	s5 =	sadd.s32 $0x3DC00, s7  }
0xd: {  	s9 =	sadd.s32 $0x1E00, s10;
	s10 =	sadd.s32 $0xCC00, s10;
	s7 =	sadd.s32 $0x65400, s8  }
0xe: {  	s8 =	smax.u32 s11, $0x1;
	s11 =	sshrl.u32 s12, $0x3;
	s12 =	simm.s32 $0x2  }
.LBB2_1:
0xf: {  	[spmem:s11], [sflag:s6] =	dma.local [hbm:s5], $0x2780  }
0x10: {  	_ =	swait.ge [sflag:s12], $0x2780  }
0x11: {  	[sflag:s12] =	ssyncset.done $0x0  }
0x12: {  	[sflag:s12] =	ssyncadd.s32 $0xFFFFD880  }
0x13: {  	s17 =	sadd.s32 $0x0, s10;
	[bflag:$0x0] =	sbarrier.arrive $0xFFFF  }
0x14: {  	[tilespmem:s3], [sflag:$0x2] =	stream.linear.gather [hbm4b:s17+s3], $0x80, $0x38;
	[tilespmem:$0x17D00] =	vst v63  }
0x15: {  	_ =	swait.ge [sflag:s12], $0x80  }
0x16: {  	[sflag:s12] =	ssyncset.done $0x0  }
0x17: {  	s31 =	sadd.s32 $0x0, s9;
	[sflag:s12] =	ssyncadd.s32 $0xFFFFFF80  }
0x18: {  	[tilespmem:s13], [sflag:$0x2] =	stream.linear.gather [hbm4b:s31+s3], $0x80, $0x38;
	[tilespmem:$0x17D00] =	vst v63  }
0x19: {  	_ =	swait.ge [sflag:s12], $0x80  }
0x1a: {  	[sflag:s12] =	ssyncset.done $0x0  }
0x1b: {  	[sflag:s12] =	ssyncadd.s32 $0xFFFFFF80  }
0x1c: {  	[tilespmem:s14], [sflag:$0x1] =	stream.indirect.gather [hbm4b:s4+s13], $0x80, s3, s13, $0xb8;
	[tilespmem:$0x17D00] =	vst v63  }
0x1d: {  	_ =	swait.ge [sflag:s15], $0x4000  }
0x1e: {  	[sflag:s15] =	ssyncset.done $0x0  }
0x1f: {  	[sflag:s15] =	ssyncadd.s32 $0xFFFFC000  }
0x20: {  	[spmem:s2] =	stream.indirect.scatter.add.f32 [tilespmem:s14], [sflag:$0x2], $0x80, s13, s13, $0xb8;
	[tilespmem:$0x17D00] =	vst v63  }
0x21: {  	_ =	swait.ge [sflag:s12], $0x4000  }
0x22: {  	s18 =	simm.s32 $0x20;
	s17 =	simm.s32 $0x10;
	[sflag:s12] =	ssyncset.done $0x0  }
.LBB2_2:
0x23: {  	s19 =	sadd.s32 s17, s10  }
0x24: {  	[sflag:s12] =	ssyncadd.s32 $0xFFFFC000;
	s20 =	smov.u32 s18;
	s21 =	sadd.s32 $0x10, s18  }
0x25: {  	[tilespmem:s3], [sflag:$0x2] =	stream.linear.gather [hbm4b:s19+s3], $0x80, $0x38;
	[tilespmem:$0x17D00] =	vst v63  }
0x26: {  	p0 =	sne.s32 s18, $0x4E0;
	_ =	swait.ge [sflag:s12], $0x80  }
0x27: {  	[sflag:s12] =	ssyncset.done $0x0  }
0x28: {  	s18 =	sadd.s32 s17, s9;
	s17 =	smov.u32 s20;
	[sflag:s12] =	ssyncadd.s32 $0xFFFFFF80  }
0x29: {  	[tilespmem:s13], [sflag:$0x2] =	stream.linear.gather [hbm4b:s18+s3], $0x80, $0x38;
	[tilespmem:$0x17D00] =	vst v63  }
0x2a: {  	_ =	swait.ge [sflag:s12], $0x80  }
0x2b: {  	[sflag:s12] =	ssyncset.done $0x0  }
0x2c: {  	[sflag:s12] =	ssyncadd.s32 $0xFFFFFF80  }
0x2d: {  	[tilespmem:s14], [sflag:$0x1] =	stream.indirect.gather [hbm4b:s4+s13], $0x80, s3, s13, $0xb8;
	[tilespmem:$0x17D00] =	vst v63  }
0x2e: {  	_ =	swait.ge [sflag:s15], $0x4000  }
.Ltmp0:
0x2f: {  	[sflag:s15] =	ssyncset.done $0x0;
	(pc) =	sbr.rel @p0 .LBB2_2-.Ltmp0, $4  }
0x30: {  	[sflag:s15] =	ssyncadd.s32 $0xFFFFC000  }
0x31: {  	[spmem:s2] =	stream.indirect.scatter.add.f32 [tilespmem:s14], [sflag:$0x2], $0x80, s13, s13, $0xb8;
	[tilespmem:$0x17D00] =	vst v63  }
0x32: {  	_ =	swait.ge [sflag:s12], $0x4000  }
0x33: {  	s18 =	smov.u32 s21;
	[sflag:s12] =	ssyncset.done $0x0  }
0x34: {  	s18 =	sadd.s32 s17, s10;
	[sflag:s12] =	ssyncadd.s32 $0xFFFFC000  }
0x35: {  	[tilespmem:s3], [sflag:$0x2] =	stream.linear.gather [hbm4b:s18+s3], $0x80, $0x38;
	[tilespmem:$0x17D00] =	vst v63  }
0x36: {  	_ =	swait.ge [sflag:s12], $0x80  }
0x37: {  	[sflag:s12] =	ssyncset.done $0x0  }
0x38: {  	s31 =	sadd.s32 s17, s9;
	[sflag:s12] =	ssyncadd.s32 $0xFFFFFF80  }
0x39: {  	[tilespmem:s13], [sflag:$0x2] =	stream.linear.gather [hbm4b:s31+s3], $0x80, $0x38;
	[tilespmem:$0x17D00] =	vst v63  }
0x3a: {  	_ =	swait.ge [sflag:s12], $0x80  }
0x3b: {  	[sflag:s12] =	ssyncset.done $0x0  }
0x3c: {  	[sflag:s12] =	ssyncadd.s32 $0xFFFFFF80  }
0x3d: {  	[tilespmem:s14], [sflag:$0x1] =	stream.indirect.gather [hbm4b:s4+s13], $0x80, s3, s13, $0xb8;
	[tilespmem:$0x17D00] =	vst v63  }
0x3e: {  	_ =	swait.ge [sflag:s15], $0x4000  }
0x3f: {  	[sflag:s15] =	ssyncset.done $0x0  }
0x40: {  	[sflag:s15] =	ssyncadd.s32 $0xFFFFC000  }
0x41: {  	[spmem:s2] =	stream.indirect.scatter.add.f32 [tilespmem:s14], [sflag:$0x2], $0x80, s13, s13, $0xb8;
	[tilespmem:$0x17D00] =	vst v63  }
0x42: {  	_ =	swait.ge [sflag:s12], $0x4000  }
0x43: {  	s16 =	sadd.s32 $0x1, s16;
	[sflag:s12] =	ssyncset.done $0x0  }
0x44: {  	p0 =	sne.s32 s16, s8;
	[sflag:s12] =	ssyncadd.s32 $0xFFFFC000  }
.Ltmp1:
0x45: {  	[bflag:$0x0] =	sbarrier.arrive $0xFFFF;
	(pc) =	sbr.rel @p0 .LBB2_1-.Ltmp1, $4  }
0x46: {  	[hbm:s7], [sflag:s6] =	dma.local [spmem:s11], $0x2780  }
0x47: {  	_ =	swait.ge [sflag:s12], $0x2780  }
0x48: {  	[sflag:s12] =	ssyncset.done $0x0  }
0x49: {  	[sflag:s12] =	ssyncadd.s32 $0xFFFFD880  }
0x4a: {  	_ =	sfence.sel $0x180000  }
0x4b: {  	[bflag:$0x0] =	sbarrier.arrive $0xFFFF  }
0x4c: {  	p0 =	sne.s32 s1, $0x0;
	_ =	strace $0x9000004D  }
0x4d: {  	s0 =	sadd.s32 @!p0 $0x100000, s0;
	[bflag:$0x2] =	sbarrier.arrive $0xFFFF  }
0x4e: {  	[sflag:s0] =	ssyncadd.tile.s32 @!p0 $0x1;
	_ =	shalt  }
.Lfunc_end2:
_tile_overlayer_lowered:
.L_overlay_start_2:
0x4f: {  	(tag) =	ssettag $0x2  }
0x50: {  	s0 =	rddreg [dreg:$0x0];
	s2 =	stileid.u32  }
0x51: {  	s1 =	rddreg [dreg:$0x1];
	p0 =	sne.s32 s2, $0x0  }
0x52: {  	s3 =	rddreg [dreg:$0x2];
	[bflag:$0x3] =	sbarrier.arrive $0xFFFF;
	s2 =	simm.s32 @!p0 $0x1C02  }
0x53: {  	[timem:s3], [sflag:s2] =	dma.local @!p0 [hbm:s0], s1  }
0x54: {  	s0 =	simm.s32 @!p0 $0x2  }
0x55: {  	_ =	swait.ge @!p0 [sflag:s0], s1  }
0x56: {  	s1 =	ssub.s32 @!p0 $0x0, s1;
	[sflag:s0] =	ssyncset.done @!p0 $0x0  }
0x57: {  	[sflag:s0] =	ssyncadd.s32 @!p0 s1  }
0x58: {  	[bflag:$0x3] =	sbarrier.arrive $0xFFFF  }
0x59: {  	_ =	shalt  }

// kernel: kernel.8.cloned.1.call-start
scs
__scs_entry_jumppad:
0x0: {  	(pc) =	sbr.rel $0x88, $3  }
0x1: {  	(tag) =	ssettag $0x0;
	lr =	simm.s32 $0x1  }
0x2: {  	[smem:$0x3F98] =	sst lr;
	_ =	strace $0xD0000000  }
0x3: {  	_ = 	snop  }
0x4: {  	_ = 	snop  }
0x5: {  	_ = 	snop  }
0x6: {  	_ = 	snop  }
0x7: {  	_ = 	snop  }
__scs_overlays_trampoline_lowered:
0x8: {  	[smem:$0x3FA7] =	sst s0  }
0x9: {  	[smem:$0x3FA8] =	sst s1  }
0xa: {  	[smem:$0x3FA9] =	sst s2  }
0xb: {  	[smem:$0x3FAA] =	sst s3  }
0xc: {  	[smem:$0x3FAB] =	sst s4  }
0xd: {  	[smem:$0x3FAC] =	sst s5  }
0xe: {  	[smem:$0x3FAD] =	sst s6  }
0xf: {  	[smem:$0x3FAE] =	sst s7  }
0x10: {  	[smem:$0x3FAF] =	sst s8  }
0x11: {  	[smem:$0x3FB0] =	sst s9;
	s0 =	simm.s32 @!p0 $0x0  }
0x12: {  	s1 =	sld [smem:$0x3F96];
	s0 =	simm.s32 @p0 $0x1  }
0x13: {  	[smem:$0x3FB1] =	sst s0;
	s0 =	simm.s32 @!p1 $0x0  }
0x14: {  	s2 =	sld [smem:$0x3F95];
	s0 =	simm.s32 @p1 $0x1  }
0x15: {  	[smem:$0x3FB2] =	sst s0;
	s0 =	simm.s32 @!p2 $0x0  }
0x16: {  	s3 =	sld [smem:$0x3FDB];
	s0 =	simm.s32 @p2 $0x1  }
0x17: {  	s4 =	simm.s32 $0x1BF5;
	[smem:$0x3FB4] =	sst s0  }
0x18: {  	s0 =	sld [smem:$0x3F97];
	_ =	swait.ge [sflag:s4], $0x0  }
0x19: {  	s7 =	sld [smem:$0x3F98]  }
0x1a: {  	s8 =	sadd.s32 $0xFFFFE003, lr  }
0x1b: {  	s9 =	sadd.s32 $0xFFFFFEF7, lr;
	s5 =	simm.s32 $0xFFFFFFFF;
	p2 =	slt.u32 s8, $0xFFFFF086  }
0x1c: {  	p1 =	slt.u32 s9, $0xF7A;
	s5 =	simm.s32 @!p2 $0x0  }
0x1d: {  	s5 =	simm.s32 @p1 $0x1;
	p0 =	seq.s32 s7, s2  }
0x1e: {  	s7 =	smul.u32 @!p0 $0xF7A, s2;
	p2 =	seq.s32 @!p0 s5, $0x0  }
0x1f: {  	s9 =	smul.u32 $0xF7A, s1;
	s8 =	simm.s32 @!p0 $0x1BF5;
	p2 =	por !p2, p0  }
0x20: {  	[sflag:s8] =	ssyncset.s32 @!p0 $0xFFFFF086;
	s6 =	sadd.s32 @!p0 s3, s7;
	s7 =	simm.s32 @!p0 $0x108  }
0x21: {  	s3 =	sadd.s32 s3, s9;
	s6 =	sadd.s32 @!p0 $0x88, s6;
	s7 =	simm.s32 @p2 $0x1082  }
0x22: {  	[simem:s7], [sflag:s8] =	dma.local @!p0 [hbm:s6], $0xF7A  }
0x23: {  	s9 =	sor.u32 $0xD0000000, s2;
	s6 =	simm.s32 $0x108;
	_ =	swait.ge @!p0 [sflag:s8], $0x0  }
0x24: {  	s3 =	sadd.s32 $0x88, s3;
	s6 =	simm.s32 @!p1 $0x1082;
	[sflag:s4] =	ssyncset.s32 $0xFFFFF086  }
0x25: {  	[simem:s6], [sflag:s4] =	dma.local [hbm:s3], $0xF7A  }
0x26: {  	[smem:$0x3F98] =	sst s1;
	(tag) =	ssettag s2;
	_ =	strace s9  }
0x27: {  	s1 =	sld [smem:$0x3FA8]  }
0x28: {  	s2 =	sld [smem:$0x3FA9]  }
0x29: {  	s4 =	sld [smem:$0x3FAB]  }
0x2a: {  	p0 =	seq.s32 s5, $0x0;
	s5 =	sld [smem:$0x3FAC]  }
0x2b: {  	s6 =	sld [smem:$0x3FAD]  }
0x2c: {  	s7 =	sld [smem:$0x3FAE]  }
0x2d: {  	s3 =	simm.s32 $0x108;
	s8 =	sld [smem:$0x3FAF]  }
0x2e: {  	s3 =	simm.s32 @!p0 $0x1082;
	s9 =	sld [smem:$0x3FB0]  }
0x2f: {  	lr =	sadd.s32 s0, s3;
	s0 =	sld [smem:$0x3FA7]  }
0x30: {  	s3 =	sld [smem:$0x3FAA]  }
0x31: {  	[smem:$0x3FB3] =	sst s10  }
0x32: {  	s10 =	sld [smem:$0x3FB1];
	_ =	sdelay $0x3  }
0x33: {  	p0 =	seq.s32 s10, $0x1;
	s10 =	sld [smem:$0x3FB3];
	_ =	sdelay $0x3  }
0x34: {  	[smem:$0x3FB3] =	sst s10  }
0x35: {  	s10 =	sld [smem:$0x3FB2];
	_ =	sdelay $0x3  }
0x36: {  	p1 =	seq.s32 s10, $0x1;
	s10 =	sld [smem:$0x3FB3];
	_ =	sdelay $0x3  }
0x37: {  	[smem:$0x3FB3] =	sst s10  }
0x38: {  	s10 =	sld [smem:$0x3FB4]  }
0x39: {  	_ = 	snop;
	(pc) =	sbr.ind lr, $3  }
0x3a: {  	_ = 	snop  }
0x3b: {  	_ = 	snop  }
0x3c: {  	p2 =	seq.s32 s10, $0x1;
	s10 =	sld [smem:$0x3FB3]  }
0x3d: {  	_ =	shalt  }
0x3e: {  	_ =	shalt  }
0x3f: {  	_ =	shalt  }
0x40: {  	_ =	shalt  }
0x41: {  	_ =	shalt  }
0x42: {  	_ =	shalt  }
0x43: {  	_ =	shalt  }
0x44: {  	_ =	shalt  }
0x45: {  	_ =	shalt  }
0x46: {  	_ =	shalt  }
0x47: {  	_ =	shalt  }
0x48: {  	_ =	shalt  }
0x49: {  	_ =	shalt  }
0x4a: {  	_ =	shalt  }
0x4b: {  	_ =	shalt  }
0x4c: {  	_ =	shalt  }
0x4d: {  	_ =	shalt  }
0x4e: {  	_ =	shalt  }
0x4f: {  	_ =	shalt  }
0x50: {  	_ =	shalt  }
0x51: {  	_ =	shalt  }
0x52: {  	_ =	shalt  }
0x53: {  	_ =	shalt  }
0x54: {  	_ =	shalt  }
0x55: {  	_ =	shalt  }
0x56: {  	_ =	shalt  }
0x57: {  	_ =	shalt  }
0x58: {  	_ =	shalt  }
0x59: {  	_ =	shalt  }
0x5a: {  	_ =	shalt  }
0x5b: {  	_ =	shalt  }
0x5c: {  	_ =	shalt  }
0x5d: {  	_ =	shalt  }
0x5e: {  	_ =	shalt  }
0x5f: {  	_ =	shalt  }
0x60: {  	_ =	shalt  }
0x61: {  	_ =	shalt  }
0x62: {  	_ =	shalt  }
0x63: {  	_ =	shalt  }
0x64: {  	_ =	shalt  }
0x65: {  	_ =	shalt  }
0x66: {  	_ =	shalt  }
0x67: {  	_ =	shalt  }
0x68: {  	_ =	shalt  }
0x69: {  	_ =	shalt  }
0x6a: {  	_ =	shalt  }
0x6b: {  	_ =	shalt  }
0x6c: {  	_ =	shalt  }
0x6d: {  	_ =	shalt  }
0x6e: {  	_ =	shalt  }
0x6f: {  	_ =	shalt  }
0x70: {  	_ =	shalt  }
0x71: {  	_ =	shalt  }
0x72: {  	_ =	shalt  }
0x73: {  	_ =	shalt  }
0x74: {  	_ =	shalt  }
0x75: {  	_ =	shalt  }
0x76: {  	_ =	shalt  }
0x77: {  	_ =	shalt  }
0x78: {  	_ =	shalt  }
0x79: {  	_ =	shalt  }
0x7a: {  	_ =	shalt  }
0x7b: {  	_ =	shalt  }
0x7c: {  	_ =	shalt  }
0x7d: {  	_ =	shalt  }
0x7e: {  	_ =	shalt  }
0x7f: {  	_ =	shalt  }
0x80: {  	_ =	shalt  }
0x81: {  	_ =	shalt  }
0x82: {  	_ =	shalt  }
0x83: {  	_ =	shalt  }
0x84: {  	_ =	shalt  }
0x85: {  	_ =	shalt  }
0x86: {  	_ =	shalt  }
0x87: {  	_ =	shalt  }
.Lfunc_end0:
.L_simem_size_0:
called_computation_lowered:
.L_overlay_start_0:
0x88: {  	s2 =	sld [smem:$0x3FD9]  }
0x89: {  	s3 =	sld [smem:$0x3FFE];
	_ =	sdelay $0x1  }
0x8a: {  	s1 =	srdreg.scid  }
0x8b: {  	s0 =	sand.u32 $0x1, s1  }
0x8c: {  	s16 =	sshll.u32 s0, $0xA;
	s2 =	sadd.s32 s3, s2  }
0x8d: {  	s2 =	sadd.s32 s2, s16  }
0x8e: {  	[smem:$0x3FBF] =	sst s2  }
0x8f: {  	_ = 	snop  }
0x90: {  	(tm) =	ssettm $0x1  }
0x91: {  	s17 =	sld [smem:$0x3FFB];
	_ =	sdelay $0x3  }
0x92: {  	_ =	strace s17  }
0x93: {  	s2 =	sld [smem:$0x3FFC];
	_ =	sdelay $0x3  }
0x94: {  	_ =	strace s2  }
0x95: {  	s2 =	sld [smem:$0x3FFD];
	_ =	sdelay $0x3  }
0x96: {  	_ =	strace s2  }
0x97: {  	_ =	strace $0x8FFFFFFF  }
0x98: {  	s18 =	sld [smem:$0x3FDB];
	_ =	sdelay $0x1  }
0x99: {  	s19 =	simm.s32 $_scs_section_size  }
0x9a: {  	s4 =	simm.s32 $_size__tile_overlayer_lowered;
	s5 =	simm.s32 $_tile_overlayer_lowered  }
0x9b: {  	s22 =	simm.s32 $0x1BFF;
	s21 =	sshll.u32 s5, $0x1;
	s2 =	sadd.s32 s19, s18  }
0x9c: {  	s6 =	simm.s32 $0x0;
	s20 =	sshll.u32 s4, $0x1;
	s4 =	sadd.s32 s21, s2  }
0x9d: {  	[timem:s6], [sflag:s22] =	dma.local [hbm:s4], s20  }
0x9e: {  	_ =	swait.ge [sflag:s22], s20  }
0x9f: {  	s3 =	ssub.s32 $0x0, s20;
	[sflag:s22] =	ssyncset.done $0x0  }
0xa0: {  	[sflag:s22] =	ssyncadd.s32 s3;
	_ =	sdelay $0x1  }
0xa1: {  	s23 =	simm.s32 $0x1B8B  }
0xa2: {  	_ =	swait.ge [sflag:s23], $0x1  }
0xa3: {  	[sflag:s23] =	ssyncset.done $0x0  }
0xa4: {  	s25 =	simm.s32 $0x1B8E;
	s24 =	sld [smem:$0x3FFE];
	[sflag:s23] =	ssyncadd.s32 $0xFFFFFFFF  }
0xa5: {  	s26 =	simm.s32 $execute0_lowered;
	[smem:$0x3FD2] =	sst s25  }
0xa6: {  	s4 =	sshll.u32 s26, $0x1;
	_ =	strace $0x80000046;
	[dreg:$0x1] =	wrdreg $0xFFFFFFFF  }
0xa7: {  	s28 =	simm.s32 $_size_execute0_lowered;
	s2 =	sadd.s32 s2, s4;
	[dreg:$0x0] =	wrdreg $0x0  }
0xa8: {  	s4 =	sshll.u32 s28, $0x1;
	[dreg:$0x2] =	wrdreg s2  }
0xa9: {  	[dreg:$0x3] =	wrdreg s4  }
0xaa: {  	[dreg:$0x4] =	wrdreg $0xC0  }
0xab: {  	_ =	task [dreg:s6], $0x5FFFF  }
0xac: {  	[dreg:$0x1] =	wrdreg $0xFFFFFFFF  }
0xad: {  	[dreg:$0x0] =	wrdreg $0x60  }
0xae: {  	[dreg:$0x2] =	wrdreg s24  }
0xaf: {  	[dreg:$0x3] =	wrdreg $0x1000  }
0xb0: {  	[dreg:$0x4] =	wrdreg $0x9  }
0xb1: {  	_ =	task.clear_ibuf [dreg:s6], $0x5FFFF;
	_ =	strace $0x90000046  }
0xb2: {  	s29 =	simm.s32 $0x9;
	_ =	strace $0x80000048  }
0xb3: {  	_ =	swait.ge [sflag:s29], $0x1  }
0xb4: {  	[sflag:s29] =	ssyncadd.s32 $0xFFFFFFFF  }
0xb5: {  	_ =	strace $0x90000048  }
0xb6: {  	_ =	sfence  }
0xb7: {  	s30 =	sld [smem:$0x0];
	_ =	sdelay $0x2  }
0xb8: {  	s31 =	sshll.u32 s1, $0xD;
	s1 =	sshrl.u32 s1, $0x2  }
0xb9: {  	s3 =	sand.u32 $0x4000, s31;
	s1 =	sadd.s32 s1, s30  }
0xba: {  	s0 =	sor.u32 s3, s0;
	s1 =	sshll.u32 s1, $0x11  }
0xbb: {  	s0 =	sor.u32 s1, s0  }
0xbc: {  	s0 =	sadd.s32 $0x8F2B, s0  }
0xbd: {  	[sflag:s0] =	ssyncadd.remote.s32 $0x1  }
0xbe: {  	_ =	sfence.sel $0xFFFF  }
0xbf: {  	[dreg:$0x0] =	wrdreg $0xFFFFFFFF;
	(pc) =	sbr.abs _section_cstart, $3  }
0xc0: {  	[dreg:$0x1] =	wrdreg $0xFFFFFFFF  }
0xc1: {  	_ =	task.clear_ibuf [dreg:s6], $0x2FFFF;
	_ =	strace $0x9FFFFFFF  }
0xc2: {  	(tm) =	ssettm $0x7FFFFFFF  }
0xc3: {  	_ =	shalt  }
tec
execute0_lowered:
.L_overlay_start_1:
0x0: {  	(tag) =	ssettag $0x1  }
0x1: {  	s4 =	rddreg [dreg:$0x0]  }
0x2: {  	s1 =	rddreg [dreg:$0x1];
	s3 =	srdreg.scid  }
0x3: {  	s0 =	rddreg [dreg:$0x2];
	s2 =	simm.s32 $0x0;
	s6 =	stileid.u32  }
0x4: {  	s3 =	sand.u32 $0x1, s3;
	[smem:$0x7FF] =	sst s2;
	s10 =	smul.u32 $0x4F0, s6  }
0x5: {  	p0 =	sne.s32 s6, $0x0;
	s5 =	smul.u32 $0x4F00, s3;
	_ =	strace $0x80000047  }
0x6: {  	s7 =	ssub.s32 $0x2, s3;
	s8 =	sshll.u32 s3, $0x4;
	s3 =	sadd.s32 $0xBC00, s4  }
0x7: {  	s9 =	sshrl.u32 s7, $0x1;
	s5 =	sadd.s32 s5, s4;
	s4 =	sadd.s32 s8, s4  }
0x8: {  	s7 =	ssub.s32 s7, s9;
	s8 =	simm.s32 $0x1;
	s9 =	simm.s32 $0x80  }
0x9: {  	s4 =	sadd.s32 $0xC200, s4;
	s31 =	sadd.s32 s10, s5;
	s5 =	smax.u32 s7, $0x1  }
0xa: {  	v0 =	vimm.f32 $1.000000000e+00;
	s7 =	sshrl.u32 @!p0 s1, $0x3;
	s10 =	simm.s32 $0x0;
	s6 =	sadd.s32 $0x1E00, s31  }
.LBB2_1:
0xb: {  	s11 =	simm.s32 @!p0 $0x1C01  }
0xc: {  	[spmem:s7], [sflag:s11] =	dma.local @!p0 [hbm:s3], $0x4F0  }
0xd: {  	s11 =	simm.s32 @!p0 $0x1  }
0xe: {  	_ =	swait.ge @!p0 [sflag:s11], $0x4F0  }
0xf: {  	[sflag:s11] =	ssyncset.done @!p0 $0x0  }
0x10: {  	[sflag:s11] =	ssyncadd.s32 @!p0 $0xFFFFFB10  }
0x11: {  	[tilespmem:$0x80] =	vst v0  }
0x12: {  	[tilespmem:$0x90] =	vst v0  }
0x13: {  	[tilespmem:$0xA0] =	vst v0  }
0x14: {  	[tilespmem:$0xB0] =	vst v0  }
0x15: {  	[tilespmem:$0xC0] =	vst v0  }
0x16: {  	[tilespmem:$0xD0] =	vst v0  }
0x17: {  	[tilespmem:$0xE0] =	vst v0  }
0x18: {  	[tilespmem:$0xF0] =	vst v0  }
0x19: {  	s31 =	sadd.s32 $0x0, s6;
	[bflag:$0x0] =	sbarrier.arrive $0xFFFF  }
0x1a: {  	[tilespmem:s2], [sflag:$0x1] =	stream.linear.gather [hbm4b:s31+s2], $0x80, $0x38;
	[tilespmem:$0x378] =	vst v63  }
0x1b: {  	_ =	swait.ge [sflag:s8], $0x80  }
0x1c: {  	[sflag:s8] =	ssyncset.done $0x0  }
0x1d: {  	[sflag:s8] =	ssyncadd.s32 $0xFFFFFF80  }
0x1e: {  	[spmem:s1] =	stream.indirect.scatter.add.f32 [tilespmem:s9], [sflag:$0x1], $0x1, s2, s9, $0xb8;
	[tilespmem:$0x378] =	vst v63  }
0x1f: {  	_ =	swait.ge [sflag:s8], $0x80  }
0x20: {  	s12 =	simm.s32 $0x20;
	s11 =	simm.s32 $0x10;
	[sflag:s8] =	ssyncset.done $0x0  }
.LBB2_2:
0x21: {  	s13 =	sadd.s32 s11, s6  }
0x22: {  	[sflag:s8] =	ssyncadd.s32 $0xFFFFFF80;
	s11 =	smov.u32 s12;
	s14 =	sadd.s32 $0x10, s12  }
0x23: {  	[tilespmem:s2], [sflag:$0x1] =	stream.linear.gather [hbm4b:s13+s2], $0x80, $0x38;
	[tilespmem:$0x378] =	vst v63  }
0x24: {  	p1 =	sne.s32 s12, $0x4E0;
	_ =	swait.ge [sflag:s8], $0x80  }
.Ltmp0:
0x25: {  	[sflag:s8] =	ssyncset.done $0x0;
	(pc) =	sbr.rel @p1 .LBB2_2-.Ltmp0, $4  }
0x26: {  	[sflag:s8] =	ssyncadd.s32 $0xFFFFFF80  }
0x27: {  	[spmem:s1] =	stream.indirect.scatter.add.f32 [tilespmem:s9], [sflag:$0x1], $0x1, s2, s9, $0xb8;
	[tilespmem:$0x378] =	vst v63  }
0x28: {  	_ =	swait.ge [sflag:s8], $0x80  }
0x29: {  	s12 =	smov.u32 s14;
	[sflag:s8] =	ssyncset.done $0x0  }
0x2a: {  	s11 =	sadd.s32 s11, s6;
	[sflag:s8] =	ssyncadd.s32 $0xFFFFFF80  }
0x2b: {  	[tilespmem:s2], [sflag:$0x1] =	stream.linear.gather [hbm4b:s11+s2], $0x80, $0x38;
	[tilespmem:$0x378] =	vst v63  }
0x2c: {  	_ =	swait.ge [sflag:s8], $0x80  }
0x2d: {  	[sflag:s8] =	ssyncset.done $0x0  }
0x2e: {  	[sflag:s8] =	ssyncadd.s32 $0xFFFFFF80  }
0x2f: {  	[spmem:s1] =	stream.indirect.scatter.add.f32 [tilespmem:s9], [sflag:$0x1], $0x1, s2, s9, $0xb8;
	[tilespmem:$0x378] =	vst v63  }
0x30: {  	s12 =	simm.s32 @!p0 $0x20;
	_ =	swait.ge [sflag:s8], $0x80  }
0x31: {  	s13 =	simm.s32 @!p0 $0x10;
	s10 =	sadd.s32 $0x1, s10;
	[sflag:s8] =	ssyncset.done $0x0  }
0x32: {  	s14 =	simm.s32 @!p0 $0x1C01;
	p1 =	sne.s32 s10, s5;
	[sflag:s8] =	ssyncadd.s32 $0xFFFFFF80  }
.Ltmp1:
0x33: {  	s11 =	simm.s32 @!p0 $0x1;
	[bflag:$0x0] =	sbarrier.arrive $0xFFFF;
	(pc) =	sbr.rel @p1 .LBB2_1-.Ltmp1, $4  }
0x34: {  	[hbm:s4@s12], [sflag:s14] =	dma.strided @!p0 [spmem:s7@s13], $0x4F0, s11, $0x10   }
0x35: {  	_ =	swait.ge @!p0 [sflag:s11], $0x4F0  }
0x36: {  	[sflag:s11] =	ssyncset.done @!p0 $0x0  }
0x37: {  	[sflag:s11] =	ssyncadd.s32 @!p0 $0xFFFFFB10  }
0x38: {  	_ =	sfence.sel $0x180000  }
0x39: {  	[bflag:$0x0] =	sbarrier.arrive $0xFFFF  }
0x3a: {  	_ =	strace $0x90000047  }
0x3b: {  	s0 =	sadd.s32 @!p0 $0x100000, s0;
	[bflag:$0x2] =	sbarrier.arrive $0xFFFF  }
0x3c: {  	[sflag:s0] =	ssyncadd.tile.s32 @!p0 $0x1;
	_ =	shalt  }
.Lfunc_end2:
_tile_overlayer_lowered:
.L_overlay_start_2:
0x3d: {  	(tag) =	ssettag $0x2  }
0x3e: {  	s0 =	rddreg [dreg:$0x0];
	s2 =	stileid.u32  }
0x3f: {  	s1 =	rddreg [dreg:$0x1];
	p0 =	sne.s32 s2, $0x0  }
0x40: {  	s3 =	rddreg [dreg:$0x2];
	[bflag:$0x3] =	sbarrier.arrive $0xFFFF;
	s2 =	simm.s32 @!p0 $0x1C01  }
0x41: {  	[timem:s3], [sflag:s2] =	dma.local @!p0 [hbm:s0], s1  }
0x42: {  	s0 =	simm.s32 @!p0 $0x1  }
0x43: {  	_ =	swait.ge @!p0 [sflag:s0], s1  }
0x44: {  	s1 =	ssub.s32 @!p0 $0x0, s1;
	[sflag:s0] =	ssyncset.done @!p0 $0x0  }
0x45: {  	[sflag:s0] =	ssyncadd.s32 @!p0 s1  }
0x46: {  	[bflag:$0x3] =	sbarrier.arrive $0xFFFF  }
0x47: {  	_ =	shalt  }

</sc_bundles>
